<compile_context>
chip_gen: v7x
topology: tpu7x:2x2x1
jax: 0.10.2.dev20260603
libtpu: 0.0.44.dev20260713+nightly
codegen_flags: <defaults>
</compile_context>

<pallas_src>
import functools

import jax
import jax.numpy as jnp
import numpy as np
from jax import lax
from jax.experimental import pallas as pl
from jax.experimental.pallas import tpu as pltpu
from jax.experimental.pallas import tpu_sc as plsc

_N = 4_000_000
_NT = 64
_BINS = _NT * _NT
_NC, _NS = 2, 16
_NW = _NC * _NS
_L = 16
_C = 10416
_NCH = 12
_E = _C * _NCH
_B = 21
_TAIL = _N - _NW * _E
_TAIL_OFF = _NW * _E
_SUB = _L * _BINS


def _sc_partials(prev, curr):
    mesh = plsc.VectorSubcoreMesh(core_axis_name="c", subcore_axis_name="s")

    @functools.partial(
        pl.kernel,
        out_type=jax.ShapeDtypeStruct((_NW, _BINS), jnp.float32),
        mesh=mesh,
        compiler_params=pltpu.CompilerParams(needs_layout_passes=False),
        scratch_types=[
            pltpu.VMEM((_SUB,), jnp.float32),
            pltpu.VMEM((_C,), jnp.int32),
            pltpu.VMEM((_C,), jnp.int32),
            pltpu.VMEM((_C,), jnp.int32),
            pltpu.VMEM((_C,), jnp.int32),
            pltpu.VMEM((_TAIL,), jnp.int32),
            pltpu.VMEM((_TAIL,), jnp.int32),
            pltpu.VMEM((_BINS,), jnp.float32),
            pltpu.SemaphoreType.DMA,
            pltpu.SemaphoreType.DMA,
            pltpu.SemaphoreType.DMA,
            pltpu.SemaphoreType.DMA,
        ],
    )
    def hist_kernel(prev_hbm, curr_hbm, out_hbm,
                    hist, pb0, cb0, pb1, cb1, ptail, ctail, obuf,
                    sp0, sc0, sp1, sc1):
        wid = lax.axis_index("s") * _NC + lax.axis_index("c")
        region = wid * _E
        lane_off = lax.iota(jnp.int32, _L) * _BINS
        ones = jnp.ones((_L,), jnp.float32)
        zeros = jnp.zeros((_L,), jnp.float32)

        def start(i, pb, cb, sp, sc_):
            off = region + i * _C
            pltpu.async_copy(prev_hbm.at[pl.ds(off, _C)], pb, sp)
            pltpu.async_copy(curr_hbm.at[pl.ds(off, _C)], cb, sc_)

        def wait(pb, cb, sp, sc_):
            pltpu.make_async_copy(prev_hbm.at[pl.ds(0, _C)], pb, sp).wait()
            pltpu.make_async_copy(curr_hbm.at[pl.ds(0, _C)], cb, sc_).wait()

        def process(pb, cb):
            @pl.loop(0, _C // (_L * _B))
            def _vec(b):
                base = b * (_L * _B)
                ps = [pb[pl.ds(base + k * _L, _L)] for k in range(_B)]
                cs = [cb[pl.ds(base + k * _L, _L)] for k in range(_B)]
                for k in range(_B):
                    addr = ps[k] * _NT + cs[k] + lane_off
                    plsc.addupdate_scatter(hist, [addr], ones)

        start(0, pb0, cb0, sp0, sc0)
        start(1, pb1, cb1, sp1, sc1)

        @pl.loop(0, _SUB // _L, unroll=16)
        def _zero(j):
            hist[pl.ds(j * _L, _L)] = zeros

        @pl.loop(0, _NCH, step=2)
        def _chunk(i):
            wait(pb0, cb0, sp0, sc0)
            process(pb0, cb0)

            @pl.when(i + 2 < _NCH)
            def _():
                start(i + 2, pb0, cb0, sp0, sc0)

            wait(pb1, cb1, sp1, sc1)
            process(pb1, cb1)

            @pl.when(i + 3 < _NCH)
            def _():
                start(i + 3, pb1, cb1, sp1, sc1)

        @pl.when(wid == _NW - 1)
        def _tail():
            pltpu.sync_copy(prev_hbm.at[pl.ds(_TAIL_OFF, _TAIL)], ptail)
            pltpu.sync_copy(curr_hbm.at[pl.ds(_TAIL_OFF, _TAIL)], ctail)
            ps = [ptail[pl.ds(k * _L, _L)] for k in range(_TAIL // _L)]
            cs = [ctail[pl.ds(k * _L, _L)] for k in range(_TAIL // _L)]
            for k in range(_TAIL // _L):
                addr = ps[k] * _NT + cs[k] + lane_off
                plsc.addupdate_scatter(hist, [addr], ones)

        @pl.loop(0, _BINS // _L, unroll=2)
        def _reduce(j):
            base = j * _L
            vals = [hist[pl.ds(r * _BINS + base, _L)] for r in range(_L)]
            while len(vals) > 1:
                vals = [a + b for a, b in zip(vals[0::2], vals[1::2])]
            obuf[pl.ds(base, _L)] = vals[0]

        pltpu.sync_copy(obuf, out_hbm.at[wid])

    return hist_kernel(prev, curr)


def _tc_body(part_ref, trans_ref, tot_ref, out_ref, tot_out_ref):
    out_ref[...] = trans_ref[...] + jnp.sum(part_ref[...], axis=0)
    tot_out_ref[0] = tot_ref[0] + np.float32(_N)


def _tc_reduce(partials, trans, total):
    return pl.pallas_call(
        _tc_body,
        out_shape=(jax.ShapeDtypeStruct((_NT // 2, 2 * _NT), jnp.float32),
                   jax.ShapeDtypeStruct((1,), jnp.float32)),
        in_specs=[pl.BlockSpec(memory_space=pltpu.VMEM),
                  pl.BlockSpec(memory_space=pltpu.VMEM),
                  pl.BlockSpec(memory_space=pltpu.SMEM)],
        out_specs=(pl.BlockSpec(memory_space=pltpu.VMEM),
                   pl.BlockSpec(memory_space=pltpu.SMEM)),
    )(partials, trans, total)


def kernel(prev_tiles, curr_tiles, transitions, total_transitions):
    partials = _sc_partials(prev_tiles.reshape(-1), curr_tiles.reshape(-1))
    hist, tot = _tc_reduce(partials.reshape(_NW, _NT // 2, 2 * _NT),
                           transitions.reshape(_NT // 2, 2 * _NT),
                           total_transitions.reshape(1))
    return hist.reshape(_NT, _NT), tot.reshape(())

# --- scband reference (transcript-rebuilt; emitter-appended) ---
"""Pipeline reference for scband-topology-tracker-20547123544587 (READ-ONLY COPY).

The authoritative reference and input builder live on the scoring server;
editing this copy changes nothing except your own understanding.
"""

import jax, jax.numpy as jnp
import numpy as np

NUM_TILES = 64
N = 4000000

def setup_inputs(seed: int = 0) -> dict:
    key = jax.random.key(seed)
    k1, k2 = jax.random.split(key)
    prev_tiles = jax.random.randint(k1, (N,), 0, NUM_TILES, dtype=jnp.int32)
    curr_tiles = jax.random.randint(k2, (N,), 0, NUM_TILES, dtype=jnp.int32)
    transitions = jnp.zeros((NUM_TILES, NUM_TILES), dtype=jnp.float32)
    total_transitions = jnp.zeros((), dtype=jnp.float32)
    return {
        'prev_tiles': prev_tiles,
        'curr_tiles': curr_tiles,
        'transitions': transitions,
        'total_transitions': total_transitions,
    }

def reference(prev_tiles, curr_tiles, transitions, total_transitions):
    # Faithful vectorized translation of TopologyTracker.update:
    #   for p, c in zip(prev.flatten(), curr.flatten()): transitions[p, c] += 1
    #   total_transitions += prev.numel()
    p = prev_tiles.reshape(-1)
    c = curr_tiles.reshape(-1)
    new_transitions = transitions.at[p, c].add(1.0)
    new_total = total_transitions + jnp.float32(p.shape[0])
    return new_transitions, new_total

if __name__ == "__main__":
    import jax
    _d = setup_inputs()
    print(jax.jit(kernel)(*tuple(_d.values())))

</pallas_src>

<mosaic_0001>
#map = affine_map<(d0, d1) -> (0)>
#map1 = affine_map<(d0, d1) -> (0, 0)>
module attributes {stable_mosaic.version = 14 : i64} {
  func.func @hist_kernel(%arg0: i32, %arg1: i32, %arg2: memref<4000000xi32, #tpu.memory_space<hbm>>, %arg3: memref<4000000xi32, #tpu.memory_space<hbm>>, %arg4: memref<32x4096xf32, #tpu.memory_space<hbm>>, %arg5: memref<65536xf32, #tpu.memory_space<vmem>>, %arg6: memref<10416xi32, #tpu.memory_space<vmem>>, %arg7: memref<10416xi32, #tpu.memory_space<vmem>>, %arg8: memref<10416xi32, #tpu.memory_space<vmem>>, %arg9: memref<10416xi32, #tpu.memory_space<vmem>>, %arg10: memref<256xi32, #tpu.memory_space<vmem>>, %arg11: memref<256xi32, #tpu.memory_space<vmem>>, %arg12: memref<4096xf32, #tpu.memory_space<vmem>>, %arg13: memref<!tpu.dma_semaphore, #tpu.memory_space<semaphore_mem>>, %arg14: memref<!tpu.dma_semaphore, #tpu.memory_space<semaphore_mem>>, %arg15: memref<!tpu.dma_semaphore, #tpu.memory_space<semaphore_mem>>, %arg16: memref<!tpu.dma_semaphore, #tpu.memory_space<semaphore_mem>>) attributes {dimension_semantics = [#tpu.dimension_semantics<core_parallel>, #tpu.dimension_semantics<subcore_parallel>], iteration_bounds = array<i64: 2, 16>, scalar_prefetch = 0 : i64, scratch_operands = 12 : i64, tpu.core_type = #tpu.core_type<sc_vector_subcore>, window_params = [{transform_indices = #map}, {transform_indices = #map}, {transform_indices = #map1}]} {
    %mul3A = arith.constant 2 : i32
    %mul3A_0 = arith.muli %arg1, %mul3A : i32
    %add3A = arith.addi %mul3A_0, %arg0 : i32
    %mul3A_1 = arith.constant 124992 : i32
    %mul3A_2 = arith.muli %add3A, %mul3A_1 : i32
    %iota3A = tpu.iota {dimensions = array<i32: 0>} : vector<16xi32>
    %mul3A_3 = arith.constant 4096 : i32
    %mul3A_4 = vector.broadcast %mul3A_3 : i32 to vector<16xi32>
    %mul3A_5 = arith.muli %iota3A, %mul3A_4 : vector<16xi32>
    %broadcast_in_dim3A = arith.constant 1.000000e+00 : f32
    %broadcast_in_dim3A_6 = vector.broadcast %broadcast_in_dim3A : f32 to vector<16xf32>
    %broadcast_in_dim3A_7 = arith.constant 0.000000e+00 : f32
    %broadcast_in_dim3A_8 = vector.broadcast %broadcast_in_dim3A_7 : f32 to vector<16xf32>
    %add3A_9 = arith.constant 0 : i32
    %add3A_10 = arith.addi %mul3A_2, %add3A_9 : i32
    %dma_start3A = tpu.memref_slice %arg2[%add3A_10] : memref<4000000xi32, #tpu.memory_space<hbm>> -> memref<10416xi32, #tpu.memory_space<hbm>>
    %dma_start3A_11 = tpu.memref_slice %arg2[%add3A_10] : memref<4000000xi32, #tpu.memory_space<hbm>> -> memref<10416xi32, #tpu.memory_space<hbm>>
    tpu.enqueue_dma source(%dma_start3A_11 : memref<10416xi32, #tpu.memory_space<hbm>>) target(%arg6 : memref<10416xi32, #tpu.memory_space<vmem>>) target_semaphore(%arg13 : memref<!tpu.dma_semaphore, #tpu.memory_space<semaphore_mem>>)
    %dma_start3A_12 = tpu.memref_slice %arg3[%add3A_10] : memref<4000000xi32, #tpu.memory_space<hbm>> -> memref<10416xi32, #tpu.memory_space<hbm>>
    %dma_start3A_13 = tpu.memref_slice %arg3[%add3A_10] : memref<4000000xi32, #tpu.memory_space<hbm>> -> memref<10416xi32, #tpu.memory_space<hbm>>
    tpu.enqueue_dma source(%dma_start3A_13 : memref<10416xi32, #tpu.memory_space<hbm>>) target(%arg7 : memref<10416xi32, #tpu.memory_space<vmem>>) target_semaphore(%arg14 : memref<!tpu.dma_semaphore, #tpu.memory_space<semaphore_mem>>)
    %add3A_14 = arith.constant 10416 : i32
    %add3A_15 = arith.addi %mul3A_2, %add3A_14 : i32
    %dma_start3A_16 = tpu.memref_slice %arg2[%add3A_15] : memref<4000000xi32, #tpu.memory_space<hbm>> -> memref<10416xi32, #tpu.memory_space<hbm>>
    %dma_start3A_17 = tpu.memref_slice %arg2[%add3A_15] : memref<4000000xi32, #tpu.memory_space<hbm>> -> memref<10416xi32, #tpu.memory_space<hbm>>
    tpu.enqueue_dma source(%dma_start3A_17 : memref<10416xi32, #tpu.memory_space<hbm>>) target(%arg8 : memref<10416xi32, #tpu.memory_space<vmem>>) target_semaphore(%arg15 : memref<!tpu.dma_semaphore, #tpu.memory_space<semaphore_mem>>)
    %dma_start3A_18 = tpu.memref_slice %arg3[%add3A_15] : memref<4000000xi32, #tpu.memory_space<hbm>> -> memref<10416xi32, #tpu.memory_space<hbm>>
    %dma_start3A_19 = tpu.memref_slice %arg3[%add3A_15] : memref<4000000xi32, #tpu.memory_space<hbm>> -> memref<10416xi32, #tpu.memory_space<hbm>>
    tpu.enqueue_dma source(%dma_start3A_19 : memref<10416xi32, #tpu.memory_space<hbm>>) target(%arg9 : memref<10416xi32, #tpu.memory_space<vmem>>) target_semaphore(%arg16 : memref<!tpu.dma_semaphore, #tpu.memory_space<semaphore_mem>>)
    %scan3A = arith.constant 0 : i32
    %scan3A_20 = arith.constant 4096 : i32
    %scan3A_21 = arith.addi %scan3A, %scan3A_20 : i32
    %scan3A_22 = arith.constant 16 : i32
    scf.for %scan3A_36 = %scan3A to %scan3A_21 step %scan3A_22  : i32 {
      %mul3A_37 = arith.constant 1 : i32
      %mul3A_38 = arith.muli %scan3A_36, %mul3A_37 : i32
      %add3A_39 = arith.constant 0 : i32
      %add3A_40 = arith.addi %add3A_39, %mul3A_38 : i32
      %mul3A_41 = arith.constant 16 : i32
      %mul3A_42 = arith.muli %add3A_40, %mul3A_41 : i32
      %swap3A = arith.index_cast %mul3A_42 : i32 to index
      %swap3A_43 = tpu.vector_load %arg5[%swap3A] {strides = array<i32>} : memref<65536xf32, #tpu.memory_space<vmem>>, vector<16xf32>,
      tpu.vector_store %arg5[%swap3A], %broadcast_in_dim3A_8 {strides = array<i32>} : memref<65536xf32, #tpu.memory_space<vmem>>, vector<16xf32>,
      %scan3A_44 = arith.constant 1 : i32
      %scan3A_45 = arith.addi %scan3A_36, %scan3A_44 : i32
      %mul3A_46 = arith.constant 1 : i32
      %mul3A_47 = arith.muli %scan3A_45, %mul3A_46 : i32
      %add3A_48 = arith.constant 0 : i32
      %add3A_49 = arith.addi %add3A_48, %mul3A_47 : i32
      %mul3A_50 = arith.constant 16 : i32
      %mul3A_51 = arith.muli %add3A_49, %mul3A_50 : i32
      %swap3A_52 = arith.index_cast %mul3A_51 : i32 to index
      %swap3A_53 = tpu.vector_load %arg5[%swap3A_52] {strides = array<i32>} : memref<65536xf32, #tpu.memory_space<vmem>>, vector<16xf32>,
      tpu.vector_store %arg5[%swap3A_52], %broadcast_in_dim3A_8 {strides = array<i32>} : memref<65536xf32, #tpu.memory_space<vmem>>, vector<16xf32>,
      %scan3A_54 = arith.constant 2 : i32
      %scan3A_55 = arith.addi %scan3A_36, %scan3A_54 : i32
      %mul3A_56 = arith.constant 1 : i32
      %mul3A_57 = arith.muli %scan3A_55, %mul3A_56 : i32
      %add3A_58 = arith.constant 0 : i32
      %add3A_59 = arith.addi %add3A_58, %mul3A_57 : i32
      %mul3A_60 = arith.constant 16 : i32
      %mul3A_61 = arith.muli %add3A_59, %mul3A_60 : i32
      %swap3A_62 = arith.index_cast %mul3A_61 : i32 to index
      %swap3A_63 = tpu.vector_load %arg5[%swap3A_62] {strides = array<i32>} : memref<65536xf32, #tpu.memory_space<vmem>>, vector<16xf32>,
      tpu.vector_store %arg5[%swap3A_62], %broadcast_in_dim3A_8 {strides = array<i32>} : memref<65536xf32, #tpu.memory_space<vmem>>, vector<16xf32>,
      %scan3A_64 = arith.constant 3 : i32
      %scan3A_65 = arith.addi %scan3A_36, %scan3A_64 : i32
      %mul3A_66 = arith.constant 1 : i32
      %mul3A_67 = arith.muli %scan3A_65, %mul3A_66 : i32
      %add3A_68 = arith.constant 0 : i32
      %add3A_69 = arith.addi %add3A_68, %mul3A_67 : i32
      %mul3A_70 = arith.constant 16 : i32
      %mul3A_71 = arith.muli %add3A_69, %mul3A_70 : i32
      %swap3A_72 = arith.index_cast %mul3A_71 : i32 to index
      %swap3A_73 = tpu.vector_load %arg5[%swap3A_72] {strides = array<i32>} : memref<65536xf32, #tpu.memory_space<vmem>>, vector<16xf32>,
      tpu.vector_store %arg5[%swap3A_72], %broadcast_in_dim3A_8 {strides = array<i32>} : memref<65536xf32, #tpu.memory_space<vmem>>, vector<16xf32>,
      %scan3A_74 = arith.constant 4 : i32
      %scan3A_75 = arith.addi %scan3A_36, %scan3A_74 : i32
      %mul3A_76 = arith.constant 1 : i32
      %mul3A_77 = arith.muli %scan3A_75, %mul3A_76 : i32
      %add3A_78 = arith.constant 0 : i32
      %add3A_79 = arith.addi %add3A_78, %mul3A_77 : i32
      %mul3A_80 = arith.constant 16 : i32
      %mul3A_81 = arith.muli %add3A_79, %mul3A_80 : i32
      %swap3A_82 = arith.index_cast %mul3A_81 : i32 to index
      %swap3A_83 = tpu.vector_load %arg5[%swap3A_82] {strides = array<i32>} : memref<65536xf32, #tpu.memory_space<vmem>>, vector<16xf32>,
      tpu.vector_store %arg5[%swap3A_82], %broadcast_in_dim3A_8 {strides = array<i32>} : memref<65536xf32, #tpu.memory_space<vmem>>, vector<16xf32>,
      %scan3A_84 = arith.constant 5 : i32
      %scan3A_85 = arith.addi %scan3A_36, %scan3A_84 : i32
      %mul3A_86 = arith.constant 1 : i32
      %mul3A_87 = arith.muli %scan3A_85, %mul3A_86 : i32
      %add3A_88 = arith.constant 0 : i32
      %add3A_89 = arith.addi %add3A_88, %mul3A_87 : i32
      %mul3A_90 = arith.constant 16 : i32
      %mul3A_91 = arith.muli %add3A_89, %mul3A_90 : i32
      %swap3A_92 = arith.index_cast %mul3A_91 : i32 to index
      %swap3A_93 = tpu.vector_load %arg5[%swap3A_92] {strides = array<i32>} : memref<65536xf32, #tpu.memory_space<vmem>>, vector<16xf32>,
      tpu.vector_store %arg5[%swap3A_92], %broadcast_in_dim3A_8 {strides = array<i32>} : memref<65536xf32, #tpu.memory_space<vmem>>, vector<16xf32>,
      %scan3A_94 = arith.constant 6 : i32
      %scan3A_95 = arith.addi %scan3A_36, %scan3A_94 : i32
      %mul3A_96 = arith.constant 1 : i32
      %mul3A_97 = arith.muli %scan3A_95, %mul3A_96 : i32
      %add3A_98 = arith.constant 0 : i32
      %add3A_99 = arith.addi %add3A_98, %mul3A_97 : i32
      %mul3A_100 = arith.constant 16 : i32
      %mul3A_101 = arith.muli %add3A_99, %mul3A_100 : i32
      %swap3A_102 = arith.index_cast %mul3A_101 : i32 to index
      %swap3A_103 = tpu.vector_load %arg5[%swap3A_102] {strides = array<i32>} : memref<65536xf32, #tpu.memory_space<vmem>>, vector<16xf32>,
      tpu.vector_store %arg5[%swap3A_102], %broadcast_in_dim3A_8 {strides = array<i32>} : memref<65536xf32, #tpu.memory_space<vmem>>, vector<16xf32>,
      %scan3A_104 = arith.constant 7 : i32
      %scan3A_105 = arith.addi %scan3A_36, %scan3A_104 : i32
      %mul3A_106 = arith.constant 1 : i32
      %mul3A_107 = arith.muli %scan3A_105, %mul3A_106 : i32
      %add3A_108 = arith.constant 0 : i32
      %add3A_109 = arith.addi %add3A_108, %mul3A_107 : i32
      %mul3A_110 = arith.constant 16 : i32
      %mul3A_111 = arith.muli %add3A_109, %mul3A_110 : i32
      %swap3A_112 = arith.index_cast %mul3A_111 : i32 to index
      %swap3A_113 = tpu.vector_load %arg5[%swap3A_112] {strides = array<i32>} : memref<65536xf32, #tpu.memory_space<vmem>>, vector<16xf32>,
      tpu.vector_store %arg5[%swap3A_112], %broadcast_in_dim3A_8 {strides = array<i32>} : memref<65536xf32, #tpu.memory_space<vmem>>, vector<16xf32>,
      %scan3A_114 = arith.constant 8 : i32
      %scan3A_115 = arith.addi %scan3A_36, %scan3A_114 : i32
      %mul3A_116 = arith.constant 1 : i32
      %mul3A_117 = arith.muli %scan3A_115, %mul3A_116 : i32
      %add3A_118 = arith.constant 0 : i32
      %add3A_119 = arith.addi %add3A_118, %mul3A_117 : i32
      %mul3A_120 = arith.constant 16 : i32
      %mul3A_121 = arith.muli %add3A_119, %mul3A_120 : i32
      %swap3A_122 = arith.index_cast %mul3A_121 : i32 to index
      %swap3A_123 = tpu.vector_load %arg5[%swap3A_122] {strides = array<i32>} : memref<65536xf32, #tpu.memory_space<vmem>>, vector<16xf32>,
      tpu.vector_store %arg5[%swap3A_122], %broadcast_in_dim3A_8 {strides = array<i32>} : memref<65536xf32, #tpu.memory_space<vmem>>, vector<16xf32>,
      %scan3A_124 = arith.constant 9 : i32
      %scan3A_125 = arith.addi %scan3A_36, %scan3A_124 : i32
      %mul3A_126 = arith.constant 1 : i32
      %mul3A_127 = arith.muli %scan3A_125, %mul3A_126 : i32
      %add3A_128 = arith.constant 0 : i32
      %add3A_129 = arith.addi %add3A_128, %mul3A_127 : i32
      %mul3A_130 = arith.constant 16 : i32
      %mul3A_131 = arith.muli %add3A_129, %mul3A_130 : i32
      %swap3A_132 = arith.index_cast %mul3A_131 : i32 to index
      %swap3A_133 = tpu.vector_load %arg5[%swap3A_132] {strides = array<i32>} : memref<65536xf32, #tpu.memory_space<vmem>>, vector<16xf32>,
      tpu.vector_store %arg5[%swap3A_132], %broadcast_in_dim3A_8 {strides = array<i32>} : memref<65536xf32, #tpu.memory_space<vmem>>, vector<16xf32>,
      %scan3A_134 = arith.constant 10 : i32
      %scan3A_135 = arith.addi %scan3A_36, %scan3A_134 : i32
      %mul3A_136 = arith.constant 1 : i32
      %mul3A_137 = arith.muli %scan3A_135, %mul3A_136 : i32
      %add3A_138 = arith.constant 0 : i32
      %add3A_139 = arith.addi %add3A_138, %mul3A_137 : i32
      %mul3A_140 = arith.constant 16 : i32
      %mul3A_141 = arith.muli %add3A_139, %mul3A_140 : i32
      %swap3A_142 = arith.index_cast %mul3A_141 : i32 to index
      %swap3A_143 = tpu.vector_load %arg5[%swap3A_142] {strides = array<i32>} : memref<65536xf32, #tpu.memory_space<vmem>>, vector<16xf32>,
      tpu.vector_store %arg5[%swap3A_142], %broadcast_in_dim3A_8 {strides = array<i32>} : memref<65536xf32, #tpu.memory_space<vmem>>, vector<16xf32>,
      %scan3A_144 = arith.constant 11 : i32
      %scan3A_145 = arith.addi %scan3A_36, %scan3A_144 : i32
      %mul3A_146 = arith.constant 1 : i32
      %mul3A_147 = arith.muli %scan3A_145, %mul3A_146 : i32
      %add3A_148 = arith.constant 0 : i32
      %add3A_149 = arith.addi %add3A_148, %mul3A_147 : i32
      %mul3A_150 = arith.constant 16 : i32
      %mul3A_151 = arith.muli %add3A_149, %mul3A_150 : i32
      %swap3A_152 = arith.index_cast %mul3A_151 : i32 to index
      %swap3A_153 = tpu.vector_load %arg5[%swap3A_152] {strides = array<i32>} : memref<65536xf32, #tpu.memory_space<vmem>>, vector<16xf32>,
      tpu.vector_store %arg5[%swap3A_152], %broadcast_in_dim3A_8 {strides = array<i32>} : memref<65536xf32, #tpu.memory_space<vmem>>, vector<16xf32>,
      %scan3A_154 = arith.constant 12 : i32
      %scan3A_155 = arith.addi %scan3A_36, %scan3A_154 : i32
      %mul3A_156 = arith.constant 1 : i32
      %mul3A_157 = arith.muli %scan3A_155, %mul3A_156 : i32
      %add3A_158 = arith.constant 0 : i32
      %add3A_159 = arith.addi %add3A_158, %mul3A_157 : i32
      %mul3A_160 = arith.constant 16 : i32
      %mul3A_161 = arith.muli %add3A_159, %mul3A_160 : i32
      %swap3A_162 = arith.index_cast %mul3A_161 : i32 to index
      %swap3A_163 = tpu.vector_load %arg5[%swap3A_162] {strides = array<i32>} : memref<65536xf32, #tpu.memory_space<vmem>>, vector<16xf32>,
      tpu.vector_store %arg5[%swap3A_162], %broadcast_in_dim3A_8 {strides = array<i32>} : memref<65536xf32, #tpu.memory_space<vmem>>, vector<16xf32>,
      %scan3A_164 = arith.constant 13 : i32
      %scan3A_165 = arith.addi %scan3A_36, %scan3A_164 : i32
      %mul3A_166 = arith.constant 1 : i32
      %mul3A_167 = arith.muli %scan3A_165, %mul3A_166 : i32
      %add3A_168 = arith.constant 0 : i32
      %add3A_169 = arith.addi %add3A_168, %mul3A_167 : i32
      %mul3A_170 = arith.constant 16 : i32
      %mul3A_171 = arith.muli %add3A_169, %mul3A_170 : i32
      %swap3A_172 = arith.index_cast %mul3A_171 : i32 to index
      %swap3A_173 = tpu.vector_load %arg5[%swap3A_172] {strides = array<i32>} : memref<65536xf32, #tpu.memory_space<vmem>>, vector<16xf32>,
      tpu.vector_store %arg5[%swap3A_172], %broadcast_in_dim3A_8 {strides = array<i32>} : memref<65536xf32, #tpu.memory_space<vmem>>, vector<16xf32>,
      %scan3A_174 = arith.constant 14 : i32
      %scan3A_175 = arith.addi %scan3A_36, %scan3A_174 : i32
      %mul3A_176 = arith.constant 1 : i32
      %mul3A_177 = arith.muli %scan3A_175, %mul3A_176 : i32
      %add3A_178 = arith.constant 0 : i32
      %add3A_179 = arith.addi %add3A_178, %mul3A_177 : i32
      %mul3A_180 = arith.constant 16 : i32
      %mul3A_181 = arith.muli %add3A_179, %mul3A_180 : i32
      %swap3A_182 = arith.index_cast %mul3A_181 : i32 to index
      %swap3A_183 = tpu.vector_load %arg5[%swap3A_182] {strides = array<i32>} : memref<65536xf32, #tpu.memory_space<vmem>>, vector<16xf32>,
      tpu.vector_store %arg5[%swap3A_182], %broadcast_in_dim3A_8 {strides = array<i32>} : memref<65536xf32, #tpu.memory_space<vmem>>, vector<16xf32>,
      %scan3A_184 = arith.constant 15 : i32
      %scan3A_185 = arith.addi %scan3A_36, %scan3A_184 : i32
      %mul3A_186 = arith.constant 1 : i32
      %mul3A_187 = arith.muli %scan3A_185, %mul3A_186 : i32
      %add3A_188 = arith.constant 0 : i32
      %add3A_189 = arith.addi %add3A_188, %mul3A_187 : i32
      %mul3A_190 = arith.constant 16 : i32
      %mul3A_191 = arith.muli %add3A_189, %mul3A_190 : i32
      %swap3A_192 = arith.index_cast %mul3A_191 : i32 to index
      %swap3A_193 = tpu.vector_load %arg5[%swap3A_192] {strides = array<i32>} : memref<65536xf32, #tpu.memory_space<vmem>>, vector<16xf32>,
      tpu.vector_store %arg5[%swap3A_192], %broadcast_in_dim3A_8 {strides = array<i32>} : memref<65536xf32, #tpu.memory_space<vmem>>, vector<16xf32>,
    }
    %scan3A_23 = arith.constant 4096 : i32
    %scan3A_24 = arith.constant 0 : i32
    %scan3A_25 = arith.constant 6 : i32
    %scan3A_26 = arith.addi %scan3A_24, %scan3A_25 : i32
    %scan3A_27 = arith.constant 1 : i32
    scf.for %scan3A_36 = %scan3A_24 to %scan3A_26 step %scan3A_27  : i32 {
      %mul3A_37 = arith.constant 2 : i32
      %mul3A_38 = arith.muli %scan3A_36, %mul3A_37 : i32
      %add3A_39 = arith.constant 0 : i32
      %add3A_40 = arith.addi %add3A_39, %mul3A_38 : i32
      %dma_wait3A = arith.constant 0 : i32
      %dma_wait3A_41 = tpu.memref_slice %arg2[%dma_wait3A] : memref<4000000xi32, #tpu.memory_space<hbm>> -> memref<10416xi32, #tpu.memory_space<hbm>>
      %dma_wait3A_42 = arith.constant 0 : i32
      %dma_wait3A_43 = tpu.memref_slice %arg2[%dma_wait3A_42] : memref<4000000xi32, #tpu.memory_space<hbm>> -> memref<10416xi32, #tpu.memory_space<hbm>>
      tpu.wait_dma2 semaphore(%arg13 : memref<!tpu.dma_semaphore, #tpu.memory_space<semaphore_mem>>) src(%dma_wait3A_43 : memref<10416xi32, #tpu.memory_space<hbm>>) dst(%arg6 : memref<10416xi32, #tpu.memory_space<vmem>>)
      %dma_wait3A_44 = arith.constant 0 : i32
      %dma_wait3A_45 = tpu.memref_slice %arg3[%dma_wait3A_44] : memref<4000000xi32, #tpu.memory_space<hbm>> -> memref<10416xi32, #tpu.memory_space<hbm>>
      %dma_wait3A_46 = arith.constant 0 : i32
      %dma_wait3A_47 = tpu.memref_slice %arg3[%dma_wait3A_46] : memref<4000000xi32, #tpu.memory_space<hbm>> -> memref<10416xi32, #tpu.memory_space<hbm>>
      tpu.wait_dma2 semaphore(%arg14 : memref<!tpu.dma_semaphore, #tpu.memory_space<semaphore_mem>>) src(%dma_wait3A_47 : memref<10416xi32, #tpu.memory_space<hbm>>) dst(%arg7 : memref<10416xi32, #tpu.memory_space<vmem>>)
      %scan3A_48 = arith.constant 0 : i32
      %scan3A_49 = arith.constant 31 : i32
      %scan3A_50 = arith.addi %scan3A_48, %scan3A_49 : i32
      %scan3A_51 = arith.constant 1 : i32
      scf.for %scan3A_79 = %scan3A_48 to %scan3A_50 step %scan3A_51  : i32 {
        %mul3A_80 = arith.constant 1 : i32
        %mul3A_81 = arith.muli %scan3A_79, %mul3A_80 : i32
        %add3A_82 = arith.constant 0 : i32
        %add3A_83 = arith.addi %add3A_82, %mul3A_81 : i32
        %mul3A_84 = arith.constant 336 : i32
        %mul3A_85 = arith.muli %add3A_83, %mul3A_84 : i32
        %add3A_86 = arith.constant 0 : i32
        %add3A_87 = arith.addi %mul3A_85, %add3A_86 : i32
        %get3A = arith.index_cast %add3A_87 : i32 to index
        %get3A_88 = tpu.vector_load %arg6[%get3A] {strides = array<i32>} : memref<10416xi32, #tpu.memory_space<vmem>>, vector<16xi32>,
        %add3A_89 = arith.constant 16 : i32
        %add3A_90 = arith.addi %mul3A_85, %add3A_89 : i32
        %get3A_91 = arith.index_cast %add3A_90 : i32 to index
        %get3A_92 = tpu.vector_load %arg6[%get3A_91] {strides = array<i32>} : memref<10416xi32, #tpu.memory_space<vmem>>, vector<16xi32>,
        %add3A_93 = arith.constant 32 : i32
        %add3A_94 = arith.addi %mul3A_85, %add3A_93 : i32
        %get3A_95 = arith.index_cast %add3A_94 : i32 to index
        %get3A_96 = tpu.vector_load %arg6[%get3A_95] {strides = array<i32>} : memref<10416xi32, #tpu.memory_space<vmem>>, vector<16xi32>,
        %add3A_97 = arith.constant 48 : i32
        %add3A_98 = arith.addi %mul3A_85, %add3A_97 : i32
        %get3A_99 = arith.index_cast %add3A_98 : i32 to index
        %get3A_100 = tpu.vector_load %arg6[%get3A_99] {strides = array<i32>} : memref<10416xi32, #tpu.memory_space<vmem>>, vector<16xi32>,
        %add3A_101 = arith.constant 64 : i32
        %add3A_102 = arith.addi %mul3A_85, %add3A_101 : i32
        %get3A_103 = arith.index_cast %add3A_102 : i32 to index
        %get3A_104 = tpu.vector_load %arg6[%get3A_103] {strides = array<i32>} : memref<10416xi32, #tpu.memory_space<vmem>>, vector<16xi32>,
        %add3A_105 = arith.constant 80 : i32
        %add3A_106 = arith.addi %mul3A_85, %add3A_105 : i32
        %get3A_107 = arith.index_cast %add3A_106 : i32 to index
        %get3A_108 = tpu.vector_load %arg6[%get3A_107] {strides = array<i32>} : memref<10416xi32, #tpu.memory_space<vmem>>, vector<16xi32>,
        %add3A_109 = arith.constant 96 : i32
        %add3A_110 = arith.addi %mul3A_85, %add3A_109 : i32
        %get3A_111 = arith.index_cast %add3A_110 : i32 to index
        %get3A_112 = tpu.vector_load %arg6[%get3A_111] {strides = array<i32>} : memref<10416xi32, #tpu.memory_space<vmem>>, vector<16xi32>,
        %add3A_113 = arith.constant 112 : i32
        %add3A_114 = arith.addi %mul3A_85, %add3A_113 : i32
        %get3A_115 = arith.index_cast %add3A_114 : i32 to index
        %get3A_116 = tpu.vector_load %arg6[%get3A_115] {strides = array<i32>} : memref<10416xi32, #tpu.memory_space<vmem>>, vector<16xi32>,
        %add3A_117 = arith.constant 128 : i32
        %add3A_118 = arith.addi %mul3A_85, %add3A_117 : i32
        %get3A_119 = arith.index_cast %add3A_118 : i32 to index
        %get3A_120 = tpu.vector_load %arg6[%get3A_119] {strides = array<i32>} : memref<10416xi32, #tpu.memory_space<vmem>>, vector<16xi32>,
        %add3A_121 = arith.constant 144 : i32
        %add3A_122 = arith.addi %mul3A_85, %add3A_121 : i32
        %get3A_123 = arith.index_cast %add3A_122 : i32 to index
        %get3A_124 = tpu.vector_load %arg6[%get3A_123] {strides = array<i32>} : memref<10416xi32, #tpu.memory_space<vmem>>, vector<16xi32>,
        %add3A_125 = arith.constant 160 : i32
        %add3A_126 = arith.addi %mul3A_85, %add3A_125 : i32
        %get3A_127 = arith.index_cast %add3A_126 : i32 to index
        %get3A_128 = tpu.vector_load %arg6[%get3A_127] {strides = array<i32>} : memref<10416xi32, #tpu.memory_space<vmem>>, vector<16xi32>,
        %add3A_129 = arith.constant 176 : i32
        %add3A_130 = arith.addi %mul3A_85, %add3A_129 : i32
        %get3A_131 = arith.index_cast %add3A_130 : i32 to index
        %get3A_132 = tpu.vector_load %arg6[%get3A_131] {strides = array<i32>} : memref<10416xi32, #tpu.memory_space<vmem>>, vector<16xi32>,
        %add3A_133 = arith.constant 192 : i32
        %add3A_134 = arith.addi %mul3A_85, %add3A_133 : i32
        %get3A_135 = arith.index_cast %add3A_134 : i32 to index
        %get3A_136 = tpu.vector_load %arg6[%get3A_135] {strides = array<i32>} : memref<10416xi32, #tpu.memory_space<vmem>>, vector<16xi32>,
        %add3A_137 = arith.constant 208 : i32
        %add3A_138 = arith.addi %mul3A_85, %add3A_137 : i32
        %get3A_139 = arith.index_cast %add3A_138 : i32 to index
        %get3A_140 = tpu.vector_load %arg6[%get3A_139] {strides = array<i32>} : memref<10416xi32, #tpu.memory_space<vmem>>, vector<16xi32>,
        %add3A_141 = arith.constant 224 : i32
        %add3A_142 = arith.addi %mul3A_85, %add3A_141 : i32
        %get3A_143 = arith.index_cast %add3A_142 : i32 to index
        %get3A_144 = tpu.vector_load %arg6[%get3A_143] {strides = array<i32>} : memref<10416xi32, #tpu.memory_space<vmem>>, vector<16xi32>,
        %add3A_145 = arith.constant 240 : i32
        %add3A_146 = arith.addi %mul3A_85, %add3A_145 : i32
        %get3A_147 = arith.index_cast %add3A_146 : i32 to index
        %get3A_148 = tpu.vector_load %arg6[%get3A_147] {strides = array<i32>} : memref<10416xi32, #tpu.memory_space<vmem>>, vector<16xi32>,
        %add3A_149 = arith.constant 256 : i32
        %add3A_150 = arith.addi %mul3A_85, %add3A_149 : i32
        %get3A_151 = arith.index_cast %add3A_150 : i32 to index
        %get3A_152 = tpu.vector_load %arg6[%get3A_151] {strides = array<i32>} : memref<10416xi32, #tpu.memory_space<vmem>>, vector<16xi32>,
        %add3A_153 = arith.constant 272 : i32
        %add3A_154 = arith.addi %mul3A_85, %add3A_153 : i32
        %get3A_155 = arith.index_cast %add3A_154 : i32 to index
        %get3A_156 = tpu.vector_load %arg6[%get3A_155] {strides = array<i32>} : memref<10416xi32, #tpu.memory_space<vmem>>, vector<16xi32>,
        %add3A_157 = arith.constant 288 : i32
        %add3A_158 = arith.addi %mul3A_85, %add3A_157 : i32
        %get3A_159 = arith.index_cast %add3A_158 : i32 to index
        %get3A_160 = tpu.vector_load %arg6[%get3A_159] {strides = array<i32>} : memref<10416xi32, #tpu.memory_space<vmem>>, vector<16xi32>,
        %add3A_161 = arith.constant 304 : i32
        %add3A_162 = arith.addi %mul3A_85, %add3A_161 : i32
        %get3A_163 = arith.index_cast %add3A_162 : i32 to index
        %get3A_164 = tpu.vector_load %arg6[%get3A_163] {strides = array<i32>} : memref<10416xi32, #tpu.memory_space<vmem>>, vector<16xi32>,
        %add3A_165 = arith.constant 320 : i32
        %add3A_166 = arith.addi %mul3A_85, %add3A_165 : i32
        %get3A_167 = arith.index_cast %add3A_166 : i32 to index
        %get3A_168 = tpu.vector_load %arg6[%get3A_167] {strides = array<i32>} : memref<10416xi32, #tpu.memory_space<vmem>>, vector<16xi32>,
        %add3A_169 = arith.constant 0 : i32
        %add3A_170 = arith.addi %mul3A_85, %add3A_169 : i32
        %get3A_171 = arith.index_cast %add3A_170 : i32 to index
        %get3A_172 = tpu.vector_load %arg7[%get3A_171] {strides = array<i32>} : memref<10416xi32, #tpu.memory_space<vmem>>, vector<16xi32>,
        %add3A_173 = arith.constant 16 : i32
        %add3A_174 = arith.addi %mul3A_85, %add3A_173 : i32
        %get3A_175 = arith.index_cast %add3A_174 : i32 to index
        %get3A_176 = tpu.vector_load %arg7[%get3A_175] {strides = array<i32>} : memref<10416xi32, #tpu.memory_space<vmem>>, vector<16xi32>,
        %add3A_177 = arith.constant 32 : i32
        %add3A_178 = arith.addi %mul3A_85, %add3A_177 : i32
        %get3A_179 = arith.index_cast %add3A_178 : i32 to index
        %get3A_180 = tpu.vector_load %arg7[%get3A_179] {strides = array<i32>} : memref<10416xi32, #tpu.memory_space<vmem>>, vector<16xi32>,
        %add3A_181 = arith.constant 48 : i32
        %add3A_182 = arith.addi %mul3A_85, %add3A_181 : i32
        %get3A_183 = arith.index_cast %add3A_182 : i32 to index
        %get3A_184 = tpu.vector_load %arg7[%get3A_183] {strides = array<i32>} : memref<10416xi32, #tpu.memory_space<vmem>>, vector<16xi32>,
        %add3A_185 = arith.constant 64 : i32
        %add3A_186 = arith.addi %mul3A_85, %add3A_185 : i32
        %get3A_187 = arith.index_cast %add3A_186 : i32 to index
        %get3A_188 = tpu.vector_load %arg7[%get3A_187] {strides = array<i32>} : memref<10416xi32, #tpu.memory_space<vmem>>, vector<16xi32>,
        %add3A_189 = arith.constant 80 : i32
        %add3A_190 = arith.addi %mul3A_85, %add3A_189 : i32
        %get3A_191 = arith.index_cast %add3A_190 : i32 to index
        %get3A_192 = tpu.vector_load %arg7[%get3A_191] {strides = array<i32>} : memref<10416xi32, #tpu.memory_space<vmem>>, vector<16xi32>,
        %add3A_193 = arith.constant 96 : i32
        %add3A_194 = arith.addi %mul3A_85, %add3A_193 : i32
        %get3A_195 = arith.index_cast %add3A_194 : i32 to index
        %get3A_196 = tpu.vector_load %arg7[%get3A_195] {strides = array<i32>} : memref<10416xi32, #tpu.memory_space<vmem>>, vector<16xi32>,
        %add3A_197 = arith.constant 112 : i32
        %add3A_198 = arith.addi %mul3A_85, %add3A_197 : i32
        %get3A_199 = arith.index_cast %add3A_198 : i32 to index
        %get3A_200 = tpu.vector_load %arg7[%get3A_199] {strides = array<i32>} : memref<10416xi32, #tpu.memory_space<vmem>>, vector<16xi32>,
        %add3A_201 = arith.constant 128 : i32
        %add3A_202 = arith.addi %mul3A_85, %add3A_201 : i32
        %get3A_203 = arith.index_cast %add3A_202 : i32 to index
        %get3A_204 = tpu.vector_load %arg7[%get3A_203] {strides = array<i32>} : memref<10416xi32, #tpu.memory_space<vmem>>, vector<16xi32>,
        %add3A_205 = arith.constant 144 : i32
        %add3A_206 = arith.addi %mul3A_85, %add3A_205 : i32
        %get3A_207 = arith.index_cast %add3A_206 : i32 to index
        %get3A_208 = tpu.vector_load %arg7[%get3A_207] {strides = array<i32>} : memref<10416xi32, #tpu.memory_space<vmem>>, vector<16xi32>,
        %add3A_209 = arith.constant 160 : i32
        %add3A_210 = arith.addi %mul3A_85, %add3A_209 : i32
        %get3A_211 = arith.index_cast %add3A_210 : i32 to index
        %get3A_212 = tpu.vector_load %arg7[%get3A_211] {strides = array<i32>} : memref<10416xi32, #tpu.memory_space<vmem>>, vector<16xi32>,
        %add3A_213 = arith.constant 176 : i32
        %add3A_214 = arith.addi %mul3A_85, %add3A_213 : i32
        %get3A_215 = arith.index_cast %add3A_214 : i32 to index
        %get3A_216 = tpu.vector_load %arg7[%get3A_215] {strides = array<i32>} : memref<10416xi32, #tpu.memory_space<vmem>>, vector<16xi32>,
        %add3A_217 = arith.constant 192 : i32
        %add3A_218 = arith.addi %mul3A_85, %add3A_217 : i32
        %get3A_219 = arith.index_cast %add3A_218 : i32 to index
        %get3A_220 = tpu.vector_load %arg7[%get3A_219] {strides = array<i32>} : memref<10416xi32, #tpu.memory_space<vmem>>, vector<16xi32>,
        %add3A_221 = arith.constant 208 : i32
        %add3A_222 = arith.addi %mul3A_85, %add3A_221 : i32
        %get3A_223 = arith.index_cast %add3A_222 : i32 to index
        %get3A_224 = tpu.vector_load %arg7[%get3A_223] {strides = array<i32>} : memref<10416xi32, #tpu.memory_space<vmem>>, vector<16xi32>,
        %add3A_225 = arith.constant 224 : i32
        %add3A_226 = arith.addi %mul3A_85, %add3A_225 : i32
        %get3A_227 = arith.index_cast %add3A_226 : i32 to index
        %get3A_228 = tpu.vector_load %arg7[%get3A_227] {strides = array<i32>} : memref<10416xi32, #tpu.memory_space<vmem>>, vector<16xi32>,
        %add3A_229 = arith.constant 240 : i32
        %add3A_230 = arith.addi %mul3A_85, %add3A_229 : i32
        %get3A_231 = arith.index_cast %add3A_230 : i32 to index
        %get3A_232 = tpu.vector_load %arg7[%get3A_231] {strides = array<i32>} : memref<10416xi32, #tpu.memory_space<vmem>>, vector<16xi32>,
        %add3A_233 = arith.constant 256 : i32
        %add3A_234 = arith.addi %mul3A_85, %add3A_233 : i32
        %get3A_235 = arith.index_cast %add3A_234 : i32 to index
        %get3A_236 = tpu.vector_load %arg7[%get3A_235] {strides = array<i32>} : memref<10416xi32, #tpu.memory_space<vmem>>, vector<16xi32>,
        %add3A_237 = arith.constant 272 : i32
        %add3A_238 = arith.addi %mul3A_85, %add3A_237 : i32
        %get3A_239 = arith.index_cast %add3A_238 : i32 to index
        %get3A_240 = tpu.vector_load %arg7[%get3A_239] {strides = array<i32>} : memref<10416xi32, #tpu.memory_space<vmem>>, vector<16xi32>,
        %add3A_241 = arith.constant 288 : i32
        %add3A_242 = arith.addi %mul3A_85, %add3A_241 : i32
        %get3A_243 = arith.index_cast %add3A_242 : i32 to index
        %get3A_244 = tpu.vector_load %arg7[%get3A_243] {strides = array<i32>} : memref<10416xi32, #tpu.memory_space<vmem>>, vector<16xi32>,
        %add3A_245 = arith.constant 304 : i32
        %add3A_246 = arith.addi %mul3A_85, %add3A_245 : i32
        %get3A_247 = arith.index_cast %add3A_246 : i32 to index
        %get3A_248 = tpu.vector_load %arg7[%get3A_247] {strides = array<i32>} : memref<10416xi32, #tpu.memory_space<vmem>>, vector<16xi32>,
        %add3A_249 = arith.constant 320 : i32
        %add3A_250 = arith.addi %mul3A_85, %add3A_249 : i32
        %get3A_251 = arith.index_cast %add3A_250 : i32 to index
        %get3A_252 = tpu.vector_load %arg7[%get3A_251] {strides = array<i32>} : memref<10416xi32, #tpu.memory_space<vmem>>, vector<16xi32>,
        %mul3A_253 = arith.constant 64 : i32
        %mul3A_254 = vector.broadcast %mul3A_253 : i32 to vector<16xi32>
        %mul3A_255 = arith.muli %get3A_88, %mul3A_254 : vector<16xi32>
        %add3A_256 = arith.addi %mul3A_255, %get3A_172 : vector<16xi32>
        %add3A_257 = arith.addi %add3A_256, %mul3A_5 : vector<16xi32>
        tpu.vector_store_idx %arg5[%add3A_257], %broadcast_in_dim3A_6 {add = true} : memref<65536xf32, #tpu.memory_space<vmem>>[vector<16xi32>], vector<16xf32>,
        %mul3A_258 = arith.constant 64 : i32
        %mul3A_259 = vector.broadcast %mul3A_258 : i32 to vector<16xi32>
        %mul3A_260 = arith.muli %get3A_92, %mul3A_259 : vector<16xi32>
        %add3A_261 = arith.addi %mul3A_260, %get3A_176 : vector<16xi32>
        %add3A_262 = arith.addi %add3A_261, %mul3A_5 : vector<16xi32>
        tpu.vector_store_idx %arg5[%add3A_262], %broadcast_in_dim3A_6 {add = true} : memref<65536xf32, #tpu.memory_space<vmem>>[vector<16xi32>], vector<16xf32>,
        %mul3A_263 = arith.constant 64 : i32
        %mul3A_264 = vector.broadcast %mul3A_263 : i32 to vector<16xi32>
        %mul3A_265 = arith.muli %get3A_96, %mul3A_264 : vector<16xi32>
        %add3A_266 = arith.addi %mul3A_265, %get3A_180 : vector<16xi32>
        %add3A_267 = arith.addi %add3A_266, %mul3A_5 : vector<16xi32>
        tpu.vector_store_idx %arg5[%add3A_267], %broadcast_in_dim3A_6 {add = true} : memref<65536xf32, #tpu.memory_space<vmem>>[vector<16xi32>], vector<16xf32>,
        %mul3A_268 = arith.constant 64 : i32
        %mul3A_269 = vector.broadcast %mul3A_268 : i32 to vector<16xi32>
        %mul3A_270 = arith.muli %get3A_100, %mul3A_269 : vector<16xi32>
        %add3A_271 = arith.addi %mul3A_270, %get3A_184 : vector<16xi32>
        %add3A_272 = arith.addi %add3A_271, %mul3A_5 : vector<16xi32>
        tpu.vector_store_idx %arg5[%add3A_272], %broadcast_in_dim3A_6 {add = true} : memref<65536xf32, #tpu.memory_space<vmem>>[vector<16xi32>], vector<16xf32>,
        %mul3A_273 = arith.constant 64 : i32
        %mul3A_274 = vector.broadcast %mul3A_273 : i32 to vector<16xi32>
        %mul3A_275 = arith.muli %get3A_104, %mul3A_274 : vector<16xi32>
        %add3A_276 = arith.addi %mul3A_275, %get3A_188 : vector<16xi32>
        %add3A_277 = arith.addi %add3A_276, %mul3A_5 : vector<16xi32>
        tpu.vector_store_idx %arg5[%add3A_277], %broadcast_in_dim3A_6 {add = true} : memref<65536xf32, #tpu.memory_space<vmem>>[vector<16xi32>], vector<16xf32>,
        %mul3A_278 = arith.constant 64 : i32
        %mul3A_279 = vector.broadcast %mul3A_278 : i32 to vector<16xi32>
        %mul3A_280 = arith.muli %get3A_108, %mul3A_279 : vector<16xi32>
        %add3A_281 = arith.addi %mul3A_280, %get3A_192 : vector<16xi32>
        %add3A_282 = arith.addi %add3A_281, %mul3A_5 : vector<16xi32>
        tpu.vector_store_idx %arg5[%add3A_282], %broadcast_in_dim3A_6 {add = true} : memref<65536xf32, #tpu.memory_space<vmem>>[vector<16xi32>], vector<16xf32>,
        %mul3A_283 = arith.constant 64 : i32
        %mul3A_284 = vector.broadcast %mul3A_283 : i32 to vector<16xi32>
        %mul3A_285 = arith.muli %get3A_112, %mul3A_284 : vector<16xi32>
        %add3A_286 = arith.addi %mul3A_285, %get3A_196 : vector<16xi32>
        %add3A_287 = arith.addi %add3A_286, %mul3A_5 : vector<16xi32>
        tpu.vector_store_idx %arg5[%add3A_287], %broadcast_in_dim3A_6 {add = true} : memref<65536xf32, #tpu.memory_space<vmem>>[vector<16xi32>], vector<16xf32>,
        %mul3A_288 = arith.constant 64 : i32
        %mul3A_289 = vector.broadcast %mul3A_288 : i32 to vector<16xi32>
        %mul3A_290 = arith.muli %get3A_116, %mul3A_289 : vector<16xi32>
        %add3A_291 = arith.addi %mul3A_290, %get3A_200 : vector<16xi32>
        %add3A_292 = arith.addi %add3A_291, %mul3A_5 : vector<16xi32>
        tpu.vector_store_idx %arg5[%add3A_292], %broadcast_in_dim3A_6 {add = true} : memref<65536xf32, #tpu.memory_space<vmem>>[vector<16xi32>], vector<16xf32>,
        %mul3A_293 = arith.constant 64 : i32
        %mul3A_294 = vector.broadcast %mul3A_293 : i32 to vector<16xi32>
        %mul3A_295 = arith.muli %get3A_120, %mul3A_294 : vector<16xi32>
        %add3A_296 = arith.addi %mul3A_295, %get3A_204 : vector<16xi32>
        %add3A_297 = arith.addi %add3A_296, %mul3A_5 : vector<16xi32>
        tpu.vector_store_idx %arg5[%add3A_297], %broadcast_in_dim3A_6 {add = true} : memref<65536xf32, #tpu.memory_space<vmem>>[vector<16xi32>], vector<16xf32>,
        %mul3A_298 = arith.constant 64 : i32
        %mul3A_299 = vector.broadcast %mul3A_298 : i32 to vector<16xi32>
        %mul3A_300 = arith.muli %get3A_124, %mul3A_299 : vector<16xi32>
        %add3A_301 = arith.addi %mul3A_300, %get3A_208 : vector<16xi32>
        %add3A_302 = arith.addi %add3A_301, %mul3A_5 : vector<16xi32>
        tpu.vector_store_idx %arg5[%add3A_302], %broadcast_in_dim3A_6 {add = true} : memref<65536xf32, #tpu.memory_space<vmem>>[vector<16xi32>], vector<16xf32>,
        %mul3A_303 = arith.constant 64 : i32
        %mul3A_304 = vector.broadcast %mul3A_303 : i32 to vector<16xi32>
        %mul3A_305 = arith.muli %get3A_128, %mul3A_304 : vector<16xi32>
        %add3A_306 = arith.addi %mul3A_305, %get3A_212 : vector<16xi32>
        %add3A_307 = arith.addi %add3A_306, %mul3A_5 : vector<16xi32>
        tpu.vector_store_idx %arg5[%add3A_307], %broadcast_in_dim3A_6 {add = true} : memref<65536xf32, #tpu.memory_space<vmem>>[vector<16xi32>], vector<16xf32>,
        %mul3A_308 = arith.constant 64 : i32
        %mul3A_309 = vector.broadcast %mul3A_308 : i32 to vector<16xi32>
        %mul3A_310 = arith.muli %get3A_132, %mul3A_309 : vector<16xi32>
        %add3A_311 = arith.addi %mul3A_310, %get3A_216 : vector<16xi32>
        %add3A_312 = arith.addi %add3A_311, %mul3A_5 : vector<16xi32>
        tpu.vector_store_idx %arg5[%add3A_312], %broadcast_in_dim3A_6 {add = true} : memref<65536xf32, #tpu.memory_space<vmem>>[vector<16xi32>], vector<16xf32>,
        %mul3A_313 = arith.constant 64 : i32
        %mul3A_314 = vector.broadcast %mul3A_313 : i32 to vector<16xi32>
        %mul3A_315 = arith.muli %get3A_136, %mul3A_314 : vector<16xi32>
        %add3A_316 = arith.addi %mul3A_315, %get3A_220 : vector<16xi32>
        %add3A_317 = arith.addi %add3A_316, %mul3A_5 : vector<16xi32>
        tpu.vector_store_idx %arg5[%add3A_317], %broadcast_in_dim3A_6 {add = true} : memref<65536xf32, #tpu.memory_space<vmem>>[vector<16xi32>], vector<16xf32>,
        %mul3A_318 = arith.constant 64 : i32
        %mul3A_319 = vector.broadcast %mul3A_318 : i32 to vector<16xi32>
        %mul3A_320 = arith.muli %get3A_140, %mul3A_319 : vector<16xi32>
        %add3A_321 = arith.addi %mul3A_320, %get3A_224 : vector<16xi32>
        %add3A_322 = arith.addi %add3A_321, %mul3A_5 : vector<16xi32>
        tpu.vector_store_idx %arg5[%add3A_322], %broadcast_in_dim3A_6 {add = true} : memref<65536xf32, #tpu.memory_space<vmem>>[vector<16xi32>], vector<16xf32>,
        %mul3A_323 = arith.constant 64 : i32
        %mul3A_324 = vector.broadcast %mul3A_323 : i32 to vector<16xi32>
        %mul3A_325 = arith.muli %get3A_144, %mul3A_324 : vector<16xi32>
        %add3A_326 = arith.addi %mul3A_325, %get3A_228 : vector<16xi32>
        %add3A_327 = arith.addi %add3A_326, %mul3A_5 : vector<16xi32>
        tpu.vector_store_idx %arg5[%add3A_327], %broadcast_in_dim3A_6 {add = true} : memref<65536xf32, #tpu.memory_space<vmem>>[vector<16xi32>], vector<16xf32>,
        %mul3A_328 = arith.constant 64 : i32
        %mul3A_329 = vector.broadcast %mul3A_328 : i32 to vector<16xi32>
        %mul3A_330 = arith.muli %get3A_148, %mul3A_329 : vector<16xi32>
        %add3A_331 = arith.addi %mul3A_330, %get3A_232 : vector<16xi32>
        %add3A_332 = arith.addi %add3A_331, %mul3A_5 : vector<16xi32>
        tpu.vector_store_idx %arg5[%add3A_332], %broadcast_in_dim3A_6 {add = true} : memref<65536xf32, #tpu.memory_space<vmem>>[vector<16xi32>], vector<16xf32>,
        %mul3A_333 = arith.constant 64 : i32
        %mul3A_334 = vector.broadcast %mul3A_333 : i32 to vector<16xi32>
        %mul3A_335 = arith.muli %get3A_152, %mul3A_334 : vector<16xi32>
        %add3A_336 = arith.addi %mul3A_335, %get3A_236 : vector<16xi32>
        %add3A_337 = arith.addi %add3A_336, %mul3A_5 : vector<16xi32>
        tpu.vector_store_idx %arg5[%add3A_337], %broadcast_in_dim3A_6 {add = true} : memref<65536xf32, #tpu.memory_space<vmem>>[vector<16xi32>], vector<16xf32>,
        %mul3A_338 = arith.constant 64 : i32
        %mul3A_339 = vector.broadcast %mul3A_338 : i32 to vector<16xi32>
        %mul3A_340 = arith.muli %get3A_156, %mul3A_339 : vector<16xi32>
        %add3A_341 = arith.addi %mul3A_340, %get3A_240 : vector<16xi32>
        %add3A_342 = arith.addi %add3A_341, %mul3A_5 : vector<16xi32>
        tpu.vector_store_idx %arg5[%add3A_342], %broadcast_in_dim3A_6 {add = true} : memref<65536xf32, #tpu.memory_space<vmem>>[vector<16xi32>], vector<16xf32>,
        %mul3A_343 = arith.constant 64 : i32
        %mul3A_344 = vector.broadcast %mul3A_343 : i32 to vector<16xi32>
        %mul3A_345 = arith.muli %get3A_160, %mul3A_344 : vector<16xi32>
        %add3A_346 = arith.addi %mul3A_345, %get3A_244 : vector<16xi32>
        %add3A_347 = arith.addi %add3A_346, %mul3A_5 : vector<16xi32>
        tpu.vector_store_idx %arg5[%add3A_347], %broadcast_in_dim3A_6 {add = true} : memref<65536xf32, #tpu.memory_space<vmem>>[vector<16xi32>], vector<16xf32>,
        %mul3A_348 = arith.constant 64 : i32
        %mul3A_349 = vector.broadcast %mul3A_348 : i32 to vector<16xi32>
        %mul3A_350 = arith.muli %get3A_164, %mul3A_349 : vector<16xi32>
        %add3A_351 = arith.addi %mul3A_350, %get3A_248 : vector<16xi32>
        %add3A_352 = arith.addi %add3A_351, %mul3A_5 : vector<16xi32>
        tpu.vector_store_idx %arg5[%add3A_352], %broadcast_in_dim3A_6 {add = true} : memref<65536xf32, #tpu.memory_space<vmem>>[vector<16xi32>], vector<16xf32>,
        %mul3A_353 = arith.constant 64 : i32
        %mul3A_354 = vector.broadcast %mul3A_353 : i32 to vector<16xi32>
        %mul3A_355 = arith.muli %get3A_168, %mul3A_354 : vector<16xi32>
        %add3A_356 = arith.addi %mul3A_355, %get3A_252 : vector<16xi32>
        %add3A_357 = arith.addi %add3A_356, %mul3A_5 : vector<16xi32>
        tpu.vector_store_idx %arg5[%add3A_357], %broadcast_in_dim3A_6 {add = true} : memref<65536xf32, #tpu.memory_space<vmem>>[vector<16xi32>], vector<16xf32>,
      }
      %scan3A_52 = arith.constant 31 : i32
      %add3A_53 = arith.constant 2 : i32
      %add3A_54 = arith.addi %add3A_40, %add3A_53 : i32
      %lt3A = arith.constant 12 : i32
      %lt3A_55 = arith.cmpi slt, %add3A_54, %lt3A : i32
      %convert_element_type3A_56 = arith.extui %lt3A_55 : i1 to i32
      %cond3A_57 = arith.constant 0 : i32
      %cond3A_58 = arith.cmpi ne, %convert_element_type3A_56, %cond3A_57 : i32
      scf.if %cond3A_58 {
        %add3A_79 = arith.constant 2 : i32
        %add3A_80 = arith.addi %add3A_40, %add3A_79 : i32
        %mul3A_81 = arith.constant 10416 : i32
        %mul3A_82 = arith.muli %add3A_80, %mul3A_81 : i32
        %add3A_83 = arith.addi %mul3A_2, %mul3A_82 : i32
        %dma_start3A_84 = tpu.memref_slice %arg2[%add3A_83] : memref<4000000xi32, #tpu.memory_space<hbm>> -> memref<10416xi32, #tpu.memory_space<hbm>>
        %dma_start3A_85 = tpu.memref_slice %arg2[%add3A_83] : memref<4000000xi32, #tpu.memory_space<hbm>> -> memref<10416xi32, #tpu.memory_space<hbm>>
        tpu.enqueue_dma source(%dma_start3A_85 : memref<10416xi32, #tpu.memory_space<hbm>>) target(%arg6 : memref<10416xi32, #tpu.memory_space<vmem>>) target_semaphore(%arg13 : memref<!tpu.dma_semaphore, #tpu.memory_space<semaphore_mem>>)
        %dma_start3A_86 = tpu.memref_slice %arg3[%add3A_83] : memref<4000000xi32, #tpu.memory_space<hbm>> -> memref<10416xi32, #tpu.memory_space<hbm>>
        %dma_start3A_87 = tpu.memref_slice %arg3[%add3A_83] : memref<4000000xi32, #tpu.memory_space<hbm>> -> memref<10416xi32, #tpu.memory_space<hbm>>
        tpu.enqueue_dma source(%dma_start3A_87 : memref<10416xi32, #tpu.memory_space<hbm>>) target(%arg7 : memref<10416xi32, #tpu.memory_space<vmem>>) target_semaphore(%arg14 : memref<!tpu.dma_semaphore, #tpu.memory_space<semaphore_mem>>)
      } else {
      }
      %dma_wait3A_59 = arith.constant 0 : i32
      %dma_wait3A_60 = tpu.memref_slice %arg2[%dma_wait3A_59] : memref<4000000xi32, #tpu.memory_space<hbm>> -> memref<10416xi32, #tpu.memory_space<hbm>>
      %dma_wait3A_61 = arith.constant 0 : i32
      %dma_wait3A_62 = tpu.memref_slice %arg2[%dma_wait3A_61] : memref<4000000xi32, #tpu.memory_space<hbm>> -> memref<10416xi32, #tpu.memory_space<hbm>>
      tpu.wait_dma2 semaphore(%arg15 : memref<!tpu.dma_semaphore, #tpu.memory_space<semaphore_mem>>) src(%dma_wait3A_62 : memref<10416xi32, #tpu.memory_space<hbm>>) dst(%arg8 : memref<10416xi32, #tpu.memory_space<vmem>>)
      %dma_wait3A_63 = arith.constant 0 : i32
      %dma_wait3A_64 = tpu.memref_slice %arg3[%dma_wait3A_63] : memref<4000000xi32, #tpu.memory_space<hbm>> -> memref<10416xi32, #tpu.memory_space<hbm>>
      %dma_wait3A_65 = arith.constant 0 : i32
      %dma_wait3A_66 = tpu.memref_slice %arg3[%dma_wait3A_65] : memref<4000000xi32, #tpu.memory_space<hbm>> -> memref<10416xi32, #tpu.memory_space<hbm>>
      tpu.wait_dma2 semaphore(%arg16 : memref<!tpu.dma_semaphore, #tpu.memory_space<semaphore_mem>>) src(%dma_wait3A_66 : memref<10416xi32, #tpu.memory_space<hbm>>) dst(%arg9 : memref<10416xi32, #tpu.memory_space<vmem>>)
      %scan3A_67 = arith.constant 0 : i32
      %scan3A_68 = arith.constant 31 : i32
      %scan3A_69 = arith.addi %scan3A_67, %scan3A_68 : i32
      %scan3A_70 = arith.constant 1 : i32
      scf.for %scan3A_79 = %scan3A_67 to %scan3A_69 step %scan3A_70  : i32 {
        %mul3A_80 = arith.constant 1 : i32
        %mul3A_81 = arith.muli %scan3A_79, %mul3A_80 : i32
        %add3A_82 = arith.constant 0 : i32
        %add3A_83 = arith.addi %add3A_82, %mul3A_81 : i32
        %mul3A_84 = arith.constant 336 : i32
        %mul3A_85 = arith.muli %add3A_83, %mul3A_84 : i32
        %add3A_86 = arith.constant 0 : i32
        %add3A_87 = arith.addi %mul3A_85, %add3A_86 : i32
        %get3A = arith.index_cast %add3A_87 : i32 to index
        %get3A_88 = tpu.vector_load %arg8[%get3A] {strides = array<i32>} : memref<10416xi32, #tpu.memory_space<vmem>>, vector<16xi32>,
        %add3A_89 = arith.constant 16 : i32
        %add3A_90 = arith.addi %mul3A_85, %add3A_89 : i32
        %get3A_91 = arith.index_cast %add3A_90 : i32 to index
        %get3A_92 = tpu.vector_load %arg8[%get3A_91] {strides = array<i32>} : memref<10416xi32, #tpu.memory_space<vmem>>, vector<16xi32>,
        %add3A_93 = arith.constant 32 : i32
        %add3A_94 = arith.addi %mul3A_85, %add3A_93 : i32
        %get3A_95 = arith.index_cast %add3A_94 : i32 to index
        %get3A_96 = tpu.vector_load %arg8[%get3A_95] {strides = array<i32>} : memref<10416xi32, #tpu.memory_space<vmem>>, vector<16xi32>,
        %add3A_97 = arith.constant 48 : i32
        %add3A_98 = arith.addi %mul3A_85, %add3A_97 : i32
        %get3A_99 = arith.index_cast %add3A_98 : i32 to index
        %get3A_100 = tpu.vector_load %arg8[%get3A_99] {strides = array<i32>} : memref<10416xi32, #tpu.memory_space<vmem>>, vector<16xi32>,
        %add3A_101 = arith.constant 64 : i32
        %add3A_102 = arith.addi %mul3A_85, %add3A_101 : i32
        %get3A_103 = arith.index_cast %add3A_102 : i32 to index
        %get3A_104 = tpu.vector_load %arg8[%get3A_103] {strides = array<i32>} : memref<10416xi32, #tpu.memory_space<vmem>>, vector<16xi32>,
        %add3A_105 = arith.constant 80 : i32
        %add3A_106 = arith.addi %mul3A_85, %add3A_105 : i32
        %get3A_107 = arith.index_cast %add3A_106 : i32 to index
        %get3A_108 = tpu.vector_load %arg8[%get3A_107] {strides = array<i32>} : memref<10416xi32, #tpu.memory_space<vmem>>, vector<16xi32>,
        %add3A_109 = arith.constant 96 : i32
        %add3A_110 = arith.addi %mul3A_85, %add3A_109 : i32
        %get3A_111 = arith.index_cast %add3A_110 : i32 to index
        %get3A_112 = tpu.vector_load %arg8[%get3A_111] {strides = array<i32>} : memref<10416xi32, #tpu.memory_space<vmem>>, vector<16xi32>,
        %add3A_113 = arith.constant 112 : i32
        %add3A_114 = arith.addi %mul3A_85, %add3A_113 : i32
        %get3A_115 = arith.index_cast %add3A_114 : i32 to index
        %get3A_116 = tpu.vector_load %arg8[%get3A_115] {strides = array<i32>} : memref<10416xi32, #tpu.memory_space<vmem>>, vector<16xi32>,
        %add3A_117 = arith.constant 128 : i32
        %add3A_118 = arith.addi %mul3A_85, %add3A_117 : i32
        %get3A_119 = arith.index_cast %add3A_118 : i32 to index
        %get3A_120 = tpu.vector_load %arg8[%get3A_119] {strides = array<i32>} : memref<10416xi32, #tpu.memory_space<vmem>>, vector<16xi32>,
        %add3A_121 = arith.constant 144 : i32
        %add3A_122 = arith.addi %mul3A_85, %add3A_121 : i32
        %get3A_123 = arith.index_cast %add3A_122 : i32 to index
        %get3A_124 = tpu.vector_load %arg8[%get3A_123] {strides = array<i32>} : memref<10416xi32, #tpu.memory_space<vmem>>, vector<16xi32>,
        %add3A_125 = arith.constant 160 : i32
        %add3A_126 = arith.addi %mul3A_85, %add3A_125 : i32
        %get3A_127 = arith.index_cast %add3A_126 : i32 to index
        %get3A_128 = tpu.vector_load %arg8[%get3A_127] {strides = array<i32>} : memref<10416xi32, #tpu.memory_space<vmem>>, vector<16xi32>,
        %add3A_129 = arith.constant 176 : i32
        %add3A_130 = arith.addi %mul3A_85, %add3A_129 : i32
        %get3A_131 = arith.index_cast %add3A_130 : i32 to index
        %get3A_132 = tpu.vector_load %arg8[%get3A_131] {strides = array<i32>} : memref<10416xi32, #tpu.memory_space<vmem>>, vector<16xi32>,
        %add3A_133 = arith.constant 192 : i32
        %add3A_134 = arith.addi %mul3A_85, %add3A_133 : i32
        %get3A_135 = arith.index_cast %add3A_134 : i32 to index
        %get3A_136 = tpu.vector_load %arg8[%get3A_135] {strides = array<i32>} : memref<10416xi32, #tpu.memory_space<vmem>>, vector<16xi32>,
        %add3A_137 = arith.constant 208 : i32
        %add3A_138 = arith.addi %mul3A_85, %add3A_137 : i32
        %get3A_139 = arith.index_cast %add3A_138 : i32 to index
        %get3A_140 = tpu.vector_load %arg8[%get3A_139] {strides = array<i32>} : memref<10416xi32, #tpu.memory_space<vmem>>, vector<16xi32>,
        %add3A_141 = arith.constant 224 : i32
        %add3A_142 = arith.addi %mul3A_85, %add3A_141 : i32
        %get3A_143 = arith.index_cast %add3A_142 : i32 to index
        %get3A_144 = tpu.vector_load %arg8[%get3A_143] {strides = array<i32>} : memref<10416xi32, #tpu.memory_space<vmem>>, vector<16xi32>,
        %add3A_145 = arith.constant 240 : i32
        %add3A_146 = arith.addi %mul3A_85, %add3A_145 : i32
        %get3A_147 = arith.index_cast %add3A_146 : i32 to index
        %get3A_148 = tpu.vector_load %arg8[%get3A_147] {strides = array<i32>} : memref<10416xi32, #tpu.memory_space<vmem>>, vector<16xi32>,
        %add3A_149 = arith.constant 256 : i32
        %add3A_150 = arith.addi %mul3A_85, %add3A_149 : i32
        %get3A_151 = arith.index_cast %add3A_150 : i32 to index
        %get3A_152 = tpu.vector_load %arg8[%get3A_151] {strides = array<i32>} : memref<10416xi32, #tpu.memory_space<vmem>>, vector<16xi32>,
        %add3A_153 = arith.constant 272 : i32
        %add3A_154 = arith.addi %mul3A_85, %add3A_153 : i32
        %get3A_155 = arith.index_cast %add3A_154 : i32 to index
        %get3A_156 = tpu.vector_load %arg8[%get3A_155] {strides = array<i32>} : memref<10416xi32, #tpu.memory_space<vmem>>, vector<16xi32>,
        %add3A_157 = arith.constant 288 : i32
        %add3A_158 = arith.addi %mul3A_85, %add3A_157 : i32
        %get3A_159 = arith.index_cast %add3A_158 : i32 to index
        %get3A_160 = tpu.vector_load %arg8[%get3A_159] {strides = array<i32>} : memref<10416xi32, #tpu.memory_space<vmem>>, vector<16xi32>,
        %add3A_161 = arith.constant 304 : i32
        %add3A_162 = arith.addi %mul3A_85, %add3A_161 : i32
        %get3A_163 = arith.index_cast %add3A_162 : i32 to index
        %get3A_164 = tpu.vector_load %arg8[%get3A_163] {strides = array<i32>} : memref<10416xi32, #tpu.memory_space<vmem>>, vector<16xi32>,
        %add3A_165 = arith.constant 320 : i32
        %add3A_166 = arith.addi %mul3A_85, %add3A_165 : i32
        %get3A_167 = arith.index_cast %add3A_166 : i32 to index
        %get3A_168 = tpu.vector_load %arg8[%get3A_167] {strides = array<i32>} : memref<10416xi32, #tpu.memory_space<vmem>>, vector<16xi32>,
        %add3A_169 = arith.constant 0 : i32
        %add3A_170 = arith.addi %mul3A_85, %add3A_169 : i32
        %get3A_171 = arith.index_cast %add3A_170 : i32 to index
        %get3A_172 = tpu.vector_load %arg9[%get3A_171] {strides = array<i32>} : memref<10416xi32, #tpu.memory_space<vmem>>, vector<16xi32>,
        %add3A_173 = arith.constant 16 : i32
        %add3A_174 = arith.addi %mul3A_85, %add3A_173 : i32
        %get3A_175 = arith.index_cast %add3A_174 : i32 to index
        %get3A_176 = tpu.vector_load %arg9[%get3A_175] {strides = array<i32>} : memref<10416xi32, #tpu.memory_space<vmem>>, vector<16xi32>,
        %add3A_177 = arith.constant 32 : i32
        %add3A_178 = arith.addi %mul3A_85, %add3A_177 : i32
        %get3A_179 = arith.index_cast %add3A_178 : i32 to index
        %get3A_180 = tpu.vector_load %arg9[%get3A_179] {strides = array<i32>} : memref<10416xi32, #tpu.memory_space<vmem>>, vector<16xi32>,
        %add3A_181 = arith.constant 48 : i32
        %add3A_182 = arith.addi %mul3A_85, %add3A_181 : i32
        %get3A_183 = arith.index_cast %add3A_182 : i32 to index
        %get3A_184 = tpu.vector_load %arg9[%get3A_183] {strides = array<i32>} : memref<10416xi32, #tpu.memory_space<vmem>>, vector<16xi32>,
        %add3A_185 = arith.constant 64 : i32
        %add3A_186 = arith.addi %mul3A_85, %add3A_185 : i32
        %get3A_187 = arith.index_cast %add3A_186 : i32 to index
        %get3A_188 = tpu.vector_load %arg9[%get3A_187] {strides = array<i32>} : memref<10416xi32, #tpu.memory_space<vmem>>, vector<16xi32>,
        %add3A_189 = arith.constant 80 : i32
        %add3A_190 = arith.addi %mul3A_85, %add3A_189 : i32
        %get3A_191 = arith.index_cast %add3A_190 : i32 to index
        %get3A_192 = tpu.vector_load %arg9[%get3A_191] {strides = array<i32>} : memref<10416xi32, #tpu.memory_space<vmem>>, vector<16xi32>,
        %add3A_193 = arith.constant 96 : i32
        %add3A_194 = arith.addi %mul3A_85, %add3A_193 : i32
        %get3A_195 = arith.index_cast %add3A_194 : i32 to index
        %get3A_196 = tpu.vector_load %arg9[%get3A_195] {strides = array<i32>} : memref<10416xi32, #tpu.memory_space<vmem>>, vector<16xi32>,
        %add3A_197 = arith.constant 112 : i32
        %add3A_198 = arith.addi %mul3A_85, %add3A_197 : i32
        %get3A_199 = arith.index_cast %add3A_198 : i32 to index
        %get3A_200 = tpu.vector_load %arg9[%get3A_199] {strides = array<i32>} : memref<10416xi32, #tpu.memory_space<vmem>>, vector<16xi32>,
        %add3A_201 = arith.constant 128 : i32
        %add3A_202 = arith.addi %mul3A_85, %add3A_201 : i32
        %get3A_203 = arith.index_cast %add3A_202 : i32 to index
        %get3A_204 = tpu.vector_load %arg9[%get3A_203] {strides = array<i32>} : memref<10416xi32, #tpu.memory_space<vmem>>, vector<16xi32>,
        %add3A_205 = arith.constant 144 : i32
        %add3A_206 = arith.addi %mul3A_85, %add3A_205 : i32
        %get3A_207 = arith.index_cast %add3A_206 : i32 to index
        %get3A_208 = tpu.vector_load %arg9[%get3A_207] {strides = array<i32>} : memref<10416xi32, #tpu.memory_space<vmem>>, vector<16xi32>,
        %add3A_209 = arith.constant 160 : i32
        %add3A_210 = arith.addi %mul3A_85, %add3A_209 : i32
        %get3A_211 = arith.index_cast %add3A_210 : i32 to index
        %get3A_212 = tpu.vector_load %arg9[%get3A_211] {strides = array<i32>} : memref<10416xi32, #tpu.memory_space<vmem>>, vector<16xi32>,
        %add3A_213 = arith.constant 176 : i32
        %add3A_214 = arith.addi %mul3A_85, %add3A_213 : i32
        %get3A_215 = arith.index_cast %add3A_214 : i32 to index
        %get3A_216 = tpu.vector_load %arg9[%get3A_215] {strides = array<i32>} : memref<10416xi32, #tpu.memory_space<vmem>>, vector<16xi32>,
        %add3A_217 = arith.constant 192 : i32
        %add3A_218 = arith.addi %mul3A_85, %add3A_217 : i32
        %get3A_219 = arith.index_cast %add3A_218 : i32 to index
        %get3A_220 = tpu.vector_load %arg9[%get3A_219] {strides = array<i32>} : memref<10416xi32, #tpu.memory_space<vmem>>, vector<16xi32>,
        %add3A_221 = arith.constant 208 : i32
        %add3A_222 = arith.addi %mul3A_85, %add3A_221 : i32
        %get3A_223 = arith.index_cast %add3A_222 : i32 to index
        %get3A_224 = tpu.vector_load %arg9[%get3A_223] {strides = array<i32>} : memref<10416xi32, #tpu.memory_space<vmem>>, vector<16xi32>,
        %add3A_225 = arith.constant 224 : i32
        %add3A_226 = arith.addi %mul3A_85, %add3A_225 : i32
        %get3A_227 = arith.index_cast %add3A_226 : i32 to index
        %get3A_228 = tpu.vector_load %arg9[%get3A_227] {strides = array<i32>} : memref<10416xi32, #tpu.memory_space<vmem>>, vector<16xi32>,
        %add3A_229 = arith.constant 240 : i32
        %add3A_230 = arith.addi %mul3A_85, %add3A_229 : i32
        %get3A_231 = arith.index_cast %add3A_230 : i32 to index
        %get3A_232 = tpu.vector_load %arg9[%get3A_231] {strides = array<i32>} : memref<10416xi32, #tpu.memory_space<vmem>>, vector<16xi32>,
        %add3A_233 = arith.constant 256 : i32
        %add3A_234 = arith.addi %mul3A_85, %add3A_233 : i32
        %get3A_235 = arith.index_cast %add3A_234 : i32 to index
        %get3A_236 = tpu.vector_load %arg9[%get3A_235] {strides = array<i32>} : memref<10416xi32, #tpu.memory_space<vmem>>, vector<16xi32>,
        %add3A_237 = arith.constant 272 : i32
        %add3A_238 = arith.addi %mul3A_85, %add3A_237 : i32
        %get3A_239 = arith.index_cast %add3A_238 : i32 to index
        %get3A_240 = tpu.vector_load %arg9[%get3A_239] {strides = array<i32>} : memref<10416xi32, #tpu.memory_space<vmem>>, vector<16xi32>,
        %add3A_241 = arith.constant 288 : i32
        %add3A_242 = arith.addi %mul3A_85, %add3A_241 : i32
        %get3A_243 = arith.index_cast %add3A_242 : i32 to index
        %get3A_244 = tpu.vector_load %arg9[%get3A_243] {strides = array<i32>} : memref<10416xi32, #tpu.memory_space<vmem>>, vector<16xi32>,
        %add3A_245 = arith.constant 304 : i32
        %add3A_246 = arith.addi %mul3A_85, %add3A_245 : i32
        %get3A_247 = arith.index_cast %add3A_246 : i32 to index
        %get3A_248 = tpu.vector_load %arg9[%get3A_247] {strides = array<i32>} : memref<10416xi32, #tpu.memory_space<vmem>>, vector<16xi32>,
        %add3A_249 = arith.constant 320 : i32
        %add3A_250 = arith.addi %mul3A_85, %add3A_249 : i32
        %get3A_251 = arith.index_cast %add3A_250 : i32 to index
        %get3A_252 = tpu.vector_load %arg9[%get3A_251] {strides = array<i32>} : memref<10416xi32, #tpu.memory_space<vmem>>, vector<16xi32>,
        %mul3A_253 = arith.constant 64 : i32
        %mul3A_254 = vector.broadcast %mul3A_253 : i32 to vector<16xi32>
        %mul3A_255 = arith.muli %get3A_88, %mul3A_254 : vector<16xi32>
        %add3A_256 = arith.addi %mul3A_255, %get3A_172 : vector<16xi32>
        %add3A_257 = arith.addi %add3A_256, %mul3A_5 : vector<16xi32>
        tpu.vector_store_idx %arg5[%add3A_257], %broadcast_in_dim3A_6 {add = true} : memref<65536xf32, #tpu.memory_space<vmem>>[vector<16xi32>], vector<16xf32>,
        %mul3A_258 = arith.constant 64 : i32
        %mul3A_259 = vector.broadcast %mul3A_258 : i32 to vector<16xi32>
        %mul3A_260 = arith.muli %get3A_92, %mul3A_259 : vector<16xi32>
        %add3A_261 = arith.addi %mul3A_260, %get3A_176 : vector<16xi32>
        %add3A_262 = arith.addi %add3A_261, %mul3A_5 : vector<16xi32>
        tpu.vector_store_idx %arg5[%add3A_262], %broadcast_in_dim3A_6 {add = true} : memref<65536xf32, #tpu.memory_space<vmem>>[vector<16xi32>], vector<16xf32>,
        %mul3A_263 = arith.constant 64 : i32
        %mul3A_264 = vector.broadcast %mul3A_263 : i32 to vector<16xi32>
        %mul3A_265 = arith.muli %get3A_96, %mul3A_264 : vector<16xi32>
        %add3A_266 = arith.addi %mul3A_265, %get3A_180 : vector<16xi32>
        %add3A_267 = arith.addi %add3A_266, %mul3A_5 : vector<16xi32>
        tpu.vector_store_idx %arg5[%add3A_267], %broadcast_in_dim3A_6 {add = true} : memref<65536xf32, #tpu.memory_space<vmem>>[vector<16xi32>], vector<16xf32>,
        %mul3A_268 = arith.constant 64 : i32
        %mul3A_269 = vector.broadcast %mul3A_268 : i32 to vector<16xi32>
        %mul3A_270 = arith.muli %get3A_100, %mul3A_269 : vector<16xi32>
        %add3A_271 = arith.addi %mul3A_270, %get3A_184 : vector<16xi32>
        %add3A_272 = arith.addi %add3A_271, %mul3A_5 : vector<16xi32>
        tpu.vector_store_idx %arg5[%add3A_272], %broadcast_in_dim3A_6 {add = true} : memref<65536xf32, #tpu.memory_space<vmem>>[vector<16xi32>], vector<16xf32>,
        %mul3A_273 = arith.constant 64 : i32
        %mul3A_274 = vector.broadcast %mul3A_273 : i32 to vector<16xi32>
        %mul3A_275 = arith.muli %get3A_104, %mul3A_274 : vector<16xi32>
        %add3A_276 = arith.addi %mul3A_275, %get3A_188 : vector<16xi32>
        %add3A_277 = arith.addi %add3A_276, %mul3A_5 : vector<16xi32>
        tpu.vector_store_idx %arg5[%add3A_277], %broadcast_in_dim3A_6 {add = true} : memref<65536xf32, #tpu.memory_space<vmem>>[vector<16xi32>], vector<16xf32>,
        %mul3A_278 = arith.constant 64 : i32
        %mul3A_279 = vector.broadcast %mul3A_278 : i32 to vector<16xi32>
        %mul3A_280 = arith.muli %get3A_108, %mul3A_279 : vector<16xi32>
        %add3A_281 = arith.addi %mul3A_280, %get3A_192 : vector<16xi32>
        %add3A_282 = arith.addi %add3A_281, %mul3A_5 : vector<16xi32>
        tpu.vector_store_idx %arg5[%add3A_282], %broadcast_in_dim3A_6 {add = true} : memref<65536xf32, #tpu.memory_space<vmem>>[vector<16xi32>], vector<16xf32>,
        %mul3A_283 = arith.constant 64 : i32
        %mul3A_284 = vector.broadcast %mul3A_283 : i32 to vector<16xi32>
        %mul3A_285 = arith.muli %get3A_112, %mul3A_284 : vector<16xi32>
        %add3A_286 = arith.addi %mul3A_285, %get3A_196 : vector<16xi32>
        %add3A_287 = arith.addi %add3A_286, %mul3A_5 : vector<16xi32>
        tpu.vector_store_idx %arg5[%add3A_287], %broadcast_in_dim3A_6 {add = true} : memref<65536xf32, #tpu.memory_space<vmem>>[vector<16xi32>], vector<16xf32>,
        %mul3A_288 = arith.constant 64 : i32
        %mul3A_289 = vector.broadcast %mul3A_288 : i32 to vector<16xi32>
        %mul3A_290 = arith.muli %get3A_116, %mul3A_289 : vector<16xi32>
        %add3A_291 = arith.addi %mul3A_290, %get3A_200 : vector<16xi32>
        %add3A_292 = arith.addi %add3A_291, %mul3A_5 : vector<16xi32>
        tpu.vector_store_idx %arg5[%add3A_292], %broadcast_in_dim3A_6 {add = true} : memref<65536xf32, #tpu.memory_space<vmem>>[vector<16xi32>], vector<16xf32>,
        %mul3A_293 = arith.constant 64 : i32
        %mul3A_294 = vector.broadcast %mul3A_293 : i32 to vector<16xi32>
        %mul3A_295 = arith.muli %get3A_120, %mul3A_294 : vector<16xi32>
        %add3A_296 = arith.addi %mul3A_295, %get3A_204 : vector<16xi32>
        %add3A_297 = arith.addi %add3A_296, %mul3A_5 : vector<16xi32>
        tpu.vector_store_idx %arg5[%add3A_297], %broadcast_in_dim3A_6 {add = true} : memref<65536xf32, #tpu.memory_space<vmem>>[vector<16xi32>], vector<16xf32>,
        %mul3A_298 = arith.constant 64 : i32
        %mul3A_299 = vector.broadcast %mul3A_298 : i32 to vector<16xi32>
        %mul3A_300 = arith.muli %get3A_124, %mul3A_299 : vector<16xi32>
        %add3A_301 = arith.addi %mul3A_300, %get3A_208 : vector<16xi32>
        %add3A_302 = arith.addi %add3A_301, %mul3A_5 : vector<16xi32>
        tpu.vector_store_idx %arg5[%add3A_302], %broadcast_in_dim3A_6 {add = true} : memref<65536xf32, #tpu.memory_space<vmem>>[vector<16xi32>], vector<16xf32>,
        %mul3A_303 = arith.constant 64 : i32
        %mul3A_304 = vector.broadcast %mul3A_303 : i32 to vector<16xi32>
        %mul3A_305 = arith.muli %get3A_128, %mul3A_304 : vector<16xi32>
        %add3A_306 = arith.addi %mul3A_305, %get3A_212 : vector<16xi32>
        %add3A_307 = arith.addi %add3A_306, %mul3A_5 : vector<16xi32>
        tpu.vector_store_idx %arg5[%add3A_307], %broadcast_in_dim3A_6 {add = true} : memref<65536xf32, #tpu.memory_space<vmem>>[vector<16xi32>], vector<16xf32>,
        %mul3A_308 = arith.constant 64 : i32
        %mul3A_309 = vector.broadcast %mul3A_308 : i32 to vector<16xi32>
        %mul3A_310 = arith.muli %get3A_132, %mul3A_309 : vector<16xi32>
        %add3A_311 = arith.addi %mul3A_310, %get3A_216 : vector<16xi32>
        %add3A_312 = arith.addi %add3A_311, %mul3A_5 : vector<16xi32>
        tpu.vector_store_idx %arg5[%add3A_312], %broadcast_in_dim3A_6 {add = true} : memref<65536xf32, #tpu.memory_space<vmem>>[vector<16xi32>], vector<16xf32>,
        %mul3A_313 = arith.constant 64 : i32
        %mul3A_314 = vector.broadcast %mul3A_313 : i32 to vector<16xi32>
        %mul3A_315 = arith.muli %get3A_136, %mul3A_314 : vector<16xi32>
        %add3A_316 = arith.addi %mul3A_315, %get3A_220 : vector<16xi32>
        %add3A_317 = arith.addi %add3A_316, %mul3A_5 : vector<16xi32>
        tpu.vector_store_idx %arg5[%add3A_317], %broadcast_in_dim3A_6 {add = true} : memref<65536xf32, #tpu.memory_space<vmem>>[vector<16xi32>], vector<16xf32>,
        %mul3A_318 = arith.constant 64 : i32
        %mul3A_319 = vector.broadcast %mul3A_318 : i32 to vector<16xi32>
        %mul3A_320 = arith.muli %get3A_140, %mul3A_319 : vector<16xi32>
        %add3A_321 = arith.addi %mul3A_320, %get3A_224 : vector<16xi32>
        %add3A_322 = arith.addi %add3A_321, %mul3A_5 : vector<16xi32>
        tpu.vector_store_idx %arg5[%add3A_322], %broadcast_in_dim3A_6 {add = true} : memref<65536xf32, #tpu.memory_space<vmem>>[vector<16xi32>], vector<16xf32>,
        %mul3A_323 = arith.constant 64 : i32
        %mul3A_324 = vector.broadcast %mul3A_323 : i32 to vector<16xi32>
        %mul3A_325 = arith.muli %get3A_144, %mul3A_324 : vector<16xi32>
        %add3A_326 = arith.addi %mul3A_325, %get3A_228 : vector<16xi32>
        %add3A_327 = arith.addi %add3A_326, %mul3A_5 : vector<16xi32>
        tpu.vector_store_idx %arg5[%add3A_327], %broadcast_in_dim3A_6 {add = true} : memref<65536xf32, #tpu.memory_space<vmem>>[vector<16xi32>], vector<16xf32>,
        %mul3A_328 = arith.constant 64 : i32
        %mul3A_329 = vector.broadcast %mul3A_328 : i32 to vector<16xi32>
        %mul3A_330 = arith.muli %get3A_148, %mul3A_329 : vector<16xi32>
        %add3A_331 = arith.addi %mul3A_330, %get3A_232 : vector<16xi32>
        %add3A_332 = arith.addi %add3A_331, %mul3A_5 : vector<16xi32>
        tpu.vector_store_idx %arg5[%add3A_332], %broadcast_in_dim3A_6 {add = true} : memref<65536xf32, #tpu.memory_space<vmem>>[vector<16xi32>], vector<16xf32>,
        %mul3A_333 = arith.constant 64 : i32
        %mul3A_334 = vector.broadcast %mul3A_333 : i32 to vector<16xi32>
        %mul3A_335 = arith.muli %get3A_152, %mul3A_334 : vector<16xi32>
        %add3A_336 = arith.addi %mul3A_335, %get3A_236 : vector<16xi32>
        %add3A_337 = arith.addi %add3A_336, %mul3A_5 : vector<16xi32>
        tpu.vector_store_idx %arg5[%add3A_337], %broadcast_in_dim3A_6 {add = true} : memref<65536xf32, #tpu.memory_space<vmem>>[vector<16xi32>], vector<16xf32>,
        %mul3A_338 = arith.constant 64 : i32
        %mul3A_339 = vector.broadcast %mul3A_338 : i32 to vector<16xi32>
        %mul3A_340 = arith.muli %get3A_156, %mul3A_339 : vector<16xi32>
        %add3A_341 = arith.addi %mul3A_340, %get3A_240 : vector<16xi32>
        %add3A_342 = arith.addi %add3A_341, %mul3A_5 : vector<16xi32>
        tpu.vector_store_idx %arg5[%add3A_342], %broadcast_in_dim3A_6 {add = true} : memref<65536xf32, #tpu.memory_space<vmem>>[vector<16xi32>], vector<16xf32>,
        %mul3A_343 = arith.constant 64 : i32
        %mul3A_344 = vector.broadcast %mul3A_343 : i32 to vector<16xi32>
        %mul3A_345 = arith.muli %get3A_160, %mul3A_344 : vector<16xi32>
        %add3A_346 = arith.addi %mul3A_345, %get3A_244 : vector<16xi32>
        %add3A_347 = arith.addi %add3A_346, %mul3A_5 : vector<16xi32>
        tpu.vector_store_idx %arg5[%add3A_347], %broadcast_in_dim3A_6 {add = true} : memref<65536xf32, #tpu.memory_space<vmem>>[vector<16xi32>], vector<16xf32>,
        %mul3A_348 = arith.constant 64 : i32
        %mul3A_349 = vector.broadcast %mul3A_348 : i32 to vector<16xi32>
        %mul3A_350 = arith.muli %get3A_164, %mul3A_349 : vector<16xi32>
        %add3A_351 = arith.addi %mul3A_350, %get3A_248 : vector<16xi32>
        %add3A_352 = arith.addi %add3A_351, %mul3A_5 : vector<16xi32>
        tpu.vector_store_idx %arg5[%add3A_352], %broadcast_in_dim3A_6 {add = true} : memref<65536xf32, #tpu.memory_space<vmem>>[vector<16xi32>], vector<16xf32>,
        %mul3A_353 = arith.constant 64 : i32
        %mul3A_354 = vector.broadcast %mul3A_353 : i32 to vector<16xi32>
        %mul3A_355 = arith.muli %get3A_168, %mul3A_354 : vector<16xi32>
        %add3A_356 = arith.addi %mul3A_355, %get3A_252 : vector<16xi32>
        %add3A_357 = arith.addi %add3A_356, %mul3A_5 : vector<16xi32>
        tpu.vector_store_idx %arg5[%add3A_357], %broadcast_in_dim3A_6 {add = true} : memref<65536xf32, #tpu.memory_space<vmem>>[vector<16xi32>], vector<16xf32>,
      }
      %scan3A_71 = arith.constant 31 : i32
      %add3A_72 = arith.constant 3 : i32
      %add3A_73 = arith.addi %add3A_40, %add3A_72 : i32
      %lt3A_74 = arith.constant 12 : i32
      %lt3A_75 = arith.cmpi slt, %add3A_73, %lt3A_74 : i32
      %convert_element_type3A_76 = arith.extui %lt3A_75 : i1 to i32
      %cond3A_77 = arith.constant 0 : i32
      %cond3A_78 = arith.cmpi ne, %convert_element_type3A_76, %cond3A_77 : i32
      scf.if %cond3A_78 {
        %add3A_79 = arith.constant 3 : i32
        %add3A_80 = arith.addi %add3A_40, %add3A_79 : i32
        %mul3A_81 = arith.constant 10416 : i32
        %mul3A_82 = arith.muli %add3A_80, %mul3A_81 : i32
        %add3A_83 = arith.addi %mul3A_2, %mul3A_82 : i32
        %dma_start3A_84 = tpu.memref_slice %arg2[%add3A_83] : memref<4000000xi32, #tpu.memory_space<hbm>> -> memref<10416xi32, #tpu.memory_space<hbm>>
        %dma_start3A_85 = tpu.memref_slice %arg2[%add3A_83] : memref<4000000xi32, #tpu.memory_space<hbm>> -> memref<10416xi32, #tpu.memory_space<hbm>>
        tpu.enqueue_dma source(%dma_start3A_85 : memref<10416xi32, #tpu.memory_space<hbm>>) target(%arg8 : memref<10416xi32, #tpu.memory_space<vmem>>) target_semaphore(%arg15 : memref<!tpu.dma_semaphore, #tpu.memory_space<semaphore_mem>>)
        %dma_start3A_86 = tpu.memref_slice %arg3[%add3A_83] : memref<4000000xi32, #tpu.memory_space<hbm>> -> memref<10416xi32, #tpu.memory_space<hbm>>
        %dma_start3A_87 = tpu.memref_slice %arg3[%add3A_83] : memref<4000000xi32, #tpu.memory_space<hbm>> -> memref<10416xi32, #tpu.memory_space<hbm>>
        tpu.enqueue_dma source(%dma_start3A_87 : memref<10416xi32, #tpu.memory_space<hbm>>) target(%arg9 : memref<10416xi32, #tpu.memory_space<vmem>>) target_semaphore(%arg16 : memref<!tpu.dma_semaphore, #tpu.memory_space<semaphore_mem>>)
      } else {
      }
    }
    %scan3A_28 = arith.constant 6 : i32
    %eq3A = arith.constant 31 : i32
    %eq3A_29 = arith.cmpi eq, %add3A, %eq3A : i32
    %convert_element_type3A = arith.extui %eq3A_29 : i1 to i32
    %cond3A = arith.constant 0 : i32
    %cond3A_30 = arith.cmpi ne, %convert_element_type3A, %cond3A : i32
    scf.if %cond3A_30 {
      "tpu.region"() ({
        %run_scoped3A = tpu.sem_alloc : memref<!tpu.dma_semaphore, #tpu.memory_space<semaphore_mem>>
        %dma_start3A_179 = arith.constant 3999744 : i32
        %dma_start3A_180 = tpu.memref_slice %arg2[%dma_start3A_179] : memref<4000000xi32, #tpu.memory_space<hbm>> -> memref<256xi32, #tpu.memory_space<hbm>>
        %dma_start3A_181 = arith.constant 3999744 : i32
        %dma_start3A_182 = tpu.memref_slice %arg2[%dma_start3A_181] : memref<4000000xi32, #tpu.memory_space<hbm>> -> memref<256xi32, #tpu.memory_space<hbm>>
        tpu.enqueue_dma source(%dma_start3A_182 : memref<256xi32, #tpu.memory_space<hbm>>) target(%arg10 : memref<256xi32, #tpu.memory_space<vmem>>) target_semaphore(%run_scoped3A : memref<!tpu.dma_semaphore, #tpu.memory_space<semaphore_mem>>)
        %dma_wait3A = arith.constant 3999744 : i32
        %dma_wait3A_183 = tpu.memref_slice %arg2[%dma_wait3A] : memref<4000000xi32, #tpu.memory_space<hbm>> -> memref<256xi32, #tpu.memory_space<hbm>>
        %dma_wait3A_184 = arith.constant 3999744 : i32
        %dma_wait3A_185 = tpu.memref_slice %arg2[%dma_wait3A_184] : memref<4000000xi32, #tpu.memory_space<hbm>> -> memref<256xi32, #tpu.memory_space<hbm>>
        tpu.wait_dma2 semaphore(%run_scoped3A : memref<!tpu.dma_semaphore, #tpu.memory_space<semaphore_mem>>) src(%dma_wait3A_185 : memref<256xi32, #tpu.memory_space<hbm>>) dst(%arg10 : memref<256xi32, #tpu.memory_space<vmem>>)
        tpu.yield
      }) : () -> ()
      "tpu.region"() ({
        %run_scoped3A = tpu.sem_alloc : memref<!tpu.dma_semaphore, #tpu.memory_space<semaphore_mem>>
        %dma_start3A_179 = arith.constant 3999744 : i32
        %dma_start3A_180 = tpu.memref_slice %arg3[%dma_start3A_179] : memref<4000000xi32, #tpu.memory_space<hbm>> -> memref<256xi32, #tpu.memory_space<hbm>>
        %dma_start3A_181 = arith.constant 3999744 : i32
        %dma_start3A_182 = tpu.memref_slice %arg3[%dma_start3A_181] : memref<4000000xi32, #tpu.memory_space<hbm>> -> memref<256xi32, #tpu.memory_space<hbm>>
        tpu.enqueue_dma source(%dma_start3A_182 : memref<256xi32, #tpu.memory_space<hbm>>) target(%arg11 : memref<256xi32, #tpu.memory_space<vmem>>) target_semaphore(%run_scoped3A : memref<!tpu.dma_semaphore, #tpu.memory_space<semaphore_mem>>)
        %dma_wait3A = arith.constant 3999744 : i32
        %dma_wait3A_183 = tpu.memref_slice %arg3[%dma_wait3A] : memref<4000000xi32, #tpu.memory_space<hbm>> -> memref<256xi32, #tpu.memory_space<hbm>>
        %dma_wait3A_184 = arith.constant 3999744 : i32
        %dma_wait3A_185 = tpu.memref_slice %arg3[%dma_wait3A_184] : memref<4000000xi32, #tpu.memory_space<hbm>> -> memref<256xi32, #tpu.memory_space<hbm>>
        tpu.wait_dma2 semaphore(%run_scoped3A : memref<!tpu.dma_semaphore, #tpu.memory_space<semaphore_mem>>) src(%dma_wait3A_185 : memref<256xi32, #tpu.memory_space<hbm>>) dst(%arg11 : memref<256xi32, #tpu.memory_space<vmem>>)
        tpu.yield
      }) : () -> ()
      %get3A = arith.constant 0 : index
      %get3A_36 = tpu.vector_load %arg10[%get3A] {strides = array<i32>} : memref<256xi32, #tpu.memory_space<vmem>>, vector<16xi32>,
      %get3A_37 = arith.constant 16 : index
      %get3A_38 = tpu.vector_load %arg10[%get3A_37] {strides = array<i32>} : memref<256xi32, #tpu.memory_space<vmem>>, vector<16xi32>,
      %get3A_39 = arith.constant 32 : index
      %get3A_40 = tpu.vector_load %arg10[%get3A_39] {strides = array<i32>} : memref<256xi32, #tpu.memory_space<vmem>>, vector<16xi32>,
      %get3A_41 = arith.constant 48 : index
      %get3A_42 = tpu.vector_load %arg10[%get3A_41] {strides = array<i32>} : memref<256xi32, #tpu.memory_space<vmem>>, vector<16xi32>,
      %get3A_43 = arith.constant 64 : index
      %get3A_44 = tpu.vector_load %arg10[%get3A_43] {strides = array<i32>} : memref<256xi32, #tpu.memory_space<vmem>>, vector<16xi32>,
      %get3A_45 = arith.constant 80 : index
      %get3A_46 = tpu.vector_load %arg10[%get3A_45] {strides = array<i32>} : memref<256xi32, #tpu.memory_space<vmem>>, vector<16xi32>,
      %get3A_47 = arith.constant 96 : index
      %get3A_48 = tpu.vector_load %arg10[%get3A_47] {strides = array<i32>} : memref<256xi32, #tpu.memory_space<vmem>>, vector<16xi32>,
      %get3A_49 = arith.constant 112 : index
      %get3A_50 = tpu.vector_load %arg10[%get3A_49] {strides = array<i32>} : memref<256xi32, #tpu.memory_space<vmem>>, vector<16xi32>,
      %get3A_51 = arith.constant 128 : index
      %get3A_52 = tpu.vector_load %arg10[%get3A_51] {strides = array<i32>} : memref<256xi32, #tpu.memory_space<vmem>>, vector<16xi32>,
      %get3A_53 = arith.constant 144 : index
      %get3A_54 = tpu.vector_load %arg10[%get3A_53] {strides = array<i32>} : memref<256xi32, #tpu.memory_space<vmem>>, vector<16xi32>,
      %get3A_55 = arith.constant 160 : index
      %get3A_56 = tpu.vector_load %arg10[%get3A_55] {strides = array<i32>} : memref<256xi32, #tpu.memory_space<vmem>>, vector<16xi32>,
      %get3A_57 = arith.constant 176 : index
      %get3A_58 = tpu.vector_load %arg10[%get3A_57] {strides = array<i32>} : memref<256xi32, #tpu.memory_space<vmem>>, vector<16xi32>,
      %get3A_59 = arith.constant 192 : index
      %get3A_60 = tpu.vector_load %arg10[%get3A_59] {strides = array<i32>} : memref<256xi32, #tpu.memory_space<vmem>>, vector<16xi32>,
      %get3A_61 = arith.constant 208 : index
      %get3A_62 = tpu.vector_load %arg10[%get3A_61] {strides = array<i32>} : memref<256xi32, #tpu.memory_space<vmem>>, vector<16xi32>,
      %get3A_63 = arith.constant 224 : index
      %get3A_64 = tpu.vector_load %arg10[%get3A_63] {strides = array<i32>} : memref<256xi32, #tpu.memory_space<vmem>>, vector<16xi32>,
      %get3A_65 = arith.constant 240 : index
      %get3A_66 = tpu.vector_load %arg10[%get3A_65] {strides = array<i32>} : memref<256xi32, #tpu.memory_space<vmem>>, vector<16xi32>,
      %get3A_67 = arith.constant 0 : index
      %get3A_68 = tpu.vector_load %arg11[%get3A_67] {strides = array<i32>} : memref<256xi32, #tpu.memory_space<vmem>>, vector<16xi32>,
      %get3A_69 = arith.constant 16 : index
      %get3A_70 = tpu.vector_load %arg11[%get3A_69] {strides = array<i32>} : memref<256xi32, #tpu.memory_space<vmem>>, vector<16xi32>,
      %get3A_71 = arith.constant 32 : index
      %get3A_72 = tpu.vector_load %arg11[%get3A_71] {strides = array<i32>} : memref<256xi32, #tpu.memory_space<vmem>>, vector<16xi32>,
      %get3A_73 = arith.constant 48 : index
      %get3A_74 = tpu.vector_load %arg11[%get3A_73] {strides = array<i32>} : memref<256xi32, #tpu.memory_space<vmem>>, vector<16xi32>,
      %get3A_75 = arith.constant 64 : index
      %get3A_76 = tpu.vector_load %arg11[%get3A_75] {strides = array<i32>} : memref<256xi32, #tpu.memory_space<vmem>>, vector<16xi32>,
      %get3A_77 = arith.constant 80 : index
      %get3A_78 = tpu.vector_load %arg11[%get3A_77] {strides = array<i32>} : memref<256xi32, #tpu.memory_space<vmem>>, vector<16xi32>,
      %get3A_79 = arith.constant 96 : index
      %get3A_80 = tpu.vector_load %arg11[%get3A_79] {strides = array<i32>} : memref<256xi32, #tpu.memory_space<vmem>>, vector<16xi32>,
      %get3A_81 = arith.constant 112 : index
      %get3A_82 = tpu.vector_load %arg11[%get3A_81] {strides = array<i32>} : memref<256xi32, #tpu.memory_space<vmem>>, vector<16xi32>,
      %get3A_83 = arith.constant 128 : index
      %get3A_84 = tpu.vector_load %arg11[%get3A_83] {strides = array<i32>} : memref<256xi32, #tpu.memory_space<vmem>>, vector<16xi32>,
      %get3A_85 = arith.constant 144 : index
      %get3A_86 = tpu.vector_load %arg11[%get3A_85] {strides = array<i32>} : memref<256xi32, #tpu.memory_space<vmem>>, vector<16xi32>,
      %get3A_87 = arith.constant 160 : index
      %get3A_88 = tpu.vector_load %arg11[%get3A_87] {strides = array<i32>} : memref<256xi32, #tpu.memory_space<vmem>>, vector<16xi32>,
      %get3A_89 = arith.constant 176 : index
      %get3A_90 = tpu.vector_load %arg11[%get3A_89] {strides = array<i32>} : memref<256xi32, #tpu.memory_space<vmem>>, vector<16xi32>,
      %get3A_91 = arith.constant 192 : index
      %get3A_92 = tpu.vector_load %arg11[%get3A_91] {strides = array<i32>} : memref<256xi32, #tpu.memory_space<vmem>>, vector<16xi32>,
      %get3A_93 = arith.constant 208 : index
      %get3A_94 = tpu.vector_load %arg11[%get3A_93] {strides = array<i32>} : memref<256xi32, #tpu.memory_space<vmem>>, vector<16xi32>,
      %get3A_95 = arith.constant 224 : index
      %get3A_96 = tpu.vector_load %arg11[%get3A_95] {strides = array<i32>} : memref<256xi32, #tpu.memory_space<vmem>>, vector<16xi32>,
      %get3A_97 = arith.constant 240 : index
      %get3A_98 = tpu.vector_load %arg11[%get3A_97] {strides = array<i32>} : memref<256xi32, #tpu.memory_space<vmem>>, vector<16xi32>,
      %mul3A_99 = arith.constant 64 : i32
      %mul3A_100 = vector.broadcast %mul3A_99 : i32 to vector<16xi32>
      %mul3A_101 = arith.muli %get3A_36, %mul3A_100 : vector<16xi32>
      %add3A_102 = arith.addi %mul3A_101, %get3A_68 : vector<16xi32>
      %add3A_103 = arith.addi %add3A_102, %mul3A_5 : vector<16xi32>
      tpu.vector_store_idx %arg5[%add3A_103], %broadcast_in_dim3A_6 {add = true} : memref<65536xf32, #tpu.memory_space<vmem>>[vector<16xi32>], vector<16xf32>,
      %mul3A_104 = arith.constant 64 : i32
      %mul3A_105 = vector.broadcast %mul3A_104 : i32 to vector<16xi32>
      %mul3A_106 = arith.muli %get3A_38, %mul3A_105 : vector<16xi32>
      %add3A_107 = arith.addi %mul3A_106, %get3A_70 : vector<16xi32>
      %add3A_108 = arith.addi %add3A_107, %mul3A_5 : vector<16xi32>
      tpu.vector_store_idx %arg5[%add3A_108], %broadcast_in_dim3A_6 {add = true} : memref<65536xf32, #tpu.memory_space<vmem>>[vector<16xi32>], vector<16xf32>,
      %mul3A_109 = arith.constant 64 : i32
      %mul3A_110 = vector.broadcast %mul3A_109 : i32 to vector<16xi32>
      %mul3A_111 = arith.muli %get3A_40, %mul3A_110 : vector<16xi32>
      %add3A_112 = arith.addi %mul3A_111, %get3A_72 : vector<16xi32>
      %add3A_113 = arith.addi %add3A_112, %mul3A_5 : vector<16xi32>
      tpu.vector_store_idx %arg5[%add3A_113], %broadcast_in_dim3A_6 {add = true} : memref<65536xf32, #tpu.memory_space<vmem>>[vector<16xi32>], vector<16xf32>,
      %mul3A_114 = arith.constant 64 : i32
      %mul3A_115 = vector.broadcast %mul3A_114 : i32 to vector<16xi32>
      %mul3A_116 = arith.muli %get3A_42, %mul3A_115 : vector<16xi32>
      %add3A_117 = arith.addi %mul3A_116, %get3A_74 : vector<16xi32>
      %add3A_118 = arith.addi %add3A_117, %mul3A_5 : vector<16xi32>
      tpu.vector_store_idx %arg5[%add3A_118], %broadcast_in_dim3A_6 {add = true} : memref<65536xf32, #tpu.memory_space<vmem>>[vector<16xi32>], vector<16xf32>,
      %mul3A_119 = arith.constant 64 : i32
      %mul3A_120 = vector.broadcast %mul3A_119 : i32 to vector<16xi32>
      %mul3A_121 = arith.muli %get3A_44, %mul3A_120 : vector<16xi32>
      %add3A_122 = arith.addi %mul3A_121, %get3A_76 : vector<16xi32>
      %add3A_123 = arith.addi %add3A_122, %mul3A_5 : vector<16xi32>
      tpu.vector_store_idx %arg5[%add3A_123], %broadcast_in_dim3A_6 {add = true} : memref<65536xf32, #tpu.memory_space<vmem>>[vector<16xi32>], vector<16xf32>,
      %mul3A_124 = arith.constant 64 : i32
      %mul3A_125 = vector.broadcast %mul3A_124 : i32 to vector<16xi32>
      %mul3A_126 = arith.muli %get3A_46, %mul3A_125 : vector<16xi32>
      %add3A_127 = arith.addi %mul3A_126, %get3A_78 : vector<16xi32>
      %add3A_128 = arith.addi %add3A_127, %mul3A_5 : vector<16xi32>
      tpu.vector_store_idx %arg5[%add3A_128], %broadcast_in_dim3A_6 {add = true} : memref<65536xf32, #tpu.memory_space<vmem>>[vector<16xi32>], vector<16xf32>,
      %mul3A_129 = arith.constant 64 : i32
      %mul3A_130 = vector.broadcast %mul3A_129 : i32 to vector<16xi32>
      %mul3A_131 = arith.muli %get3A_48, %mul3A_130 : vector<16xi32>
      %add3A_132 = arith.addi %mul3A_131, %get3A_80 : vector<16xi32>
      %add3A_133 = arith.addi %add3A_132, %mul3A_5 : vector<16xi32>
      tpu.vector_store_idx %arg5[%add3A_133], %broadcast_in_dim3A_6 {add = true} : memref<65536xf32, #tpu.memory_space<vmem>>[vector<16xi32>], vector<16xf32>,
      %mul3A_134 = arith.constant 64 : i32
      %mul3A_135 = vector.broadcast %mul3A_134 : i32 to vector<16xi32>
      %mul3A_136 = arith.muli %get3A_50, %mul3A_135 : vector<16xi32>
      %add3A_137 = arith.addi %mul3A_136, %get3A_82 : vector<16xi32>
      %add3A_138 = arith.addi %add3A_137, %mul3A_5 : vector<16xi32>
      tpu.vector_store_idx %arg5[%add3A_138], %broadcast_in_dim3A_6 {add = true} : memref<65536xf32, #tpu.memory_space<vmem>>[vector<16xi32>], vector<16xf32>,
      %mul3A_139 = arith.constant 64 : i32
      %mul3A_140 = vector.broadcast %mul3A_139 : i32 to vector<16xi32>
      %mul3A_141 = arith.muli %get3A_52, %mul3A_140 : vector<16xi32>
      %add3A_142 = arith.addi %mul3A_141, %get3A_84 : vector<16xi32>
      %add3A_143 = arith.addi %add3A_142, %mul3A_5 : vector<16xi32>
      tpu.vector_store_idx %arg5[%add3A_143], %broadcast_in_dim3A_6 {add = true} : memref<65536xf32, #tpu.memory_space<vmem>>[vector<16xi32>], vector<16xf32>,
      %mul3A_144 = arith.constant 64 : i32
      %mul3A_145 = vector.broadcast %mul3A_144 : i32 to vector<16xi32>
      %mul3A_146 = arith.muli %get3A_54, %mul3A_145 : vector<16xi32>
      %add3A_147 = arith.addi %mul3A_146, %get3A_86 : vector<16xi32>
      %add3A_148 = arith.addi %add3A_147, %mul3A_5 : vector<16xi32>
      tpu.vector_store_idx %arg5[%add3A_148], %broadcast_in_dim3A_6 {add = true} : memref<65536xf32, #tpu.memory_space<vmem>>[vector<16xi32>], vector<16xf32>,
      %mul3A_149 = arith.constant 64 : i32
      %mul3A_150 = vector.broadcast %mul3A_149 : i32 to vector<16xi32>
      %mul3A_151 = arith.muli %get3A_56, %mul3A_150 : vector<16xi32>
      %add3A_152 = arith.addi %mul3A_151, %get3A_88 : vector<16xi32>
      %add3A_153 = arith.addi %add3A_152, %mul3A_5 : vector<16xi32>
      tpu.vector_store_idx %arg5[%add3A_153], %broadcast_in_dim3A_6 {add = true} : memref<65536xf32, #tpu.memory_space<vmem>>[vector<16xi32>], vector<16xf32>,
      %mul3A_154 = arith.constant 64 : i32
      %mul3A_155 = vector.broadcast %mul3A_154 : i32 to vector<16xi32>
      %mul3A_156 = arith.muli %get3A_58, %mul3A_155 : vector<16xi32>
      %add3A_157 = arith.addi %mul3A_156, %get3A_90 : vector<16xi32>
      %add3A_158 = arith.addi %add3A_157, %mul3A_5 : vector<16xi32>
      tpu.vector_store_idx %arg5[%add3A_158], %broadcast_in_dim3A_6 {add = true} : memref<65536xf32, #tpu.memory_space<vmem>>[vector<16xi32>], vector<16xf32>,
      %mul3A_159 = arith.constant 64 : i32
      %mul3A_160 = vector.broadcast %mul3A_159 : i32 to vector<16xi32>
      %mul3A_161 = arith.muli %get3A_60, %mul3A_160 : vector<16xi32>
      %add3A_162 = arith.addi %mul3A_161, %get3A_92 : vector<16xi32>
      %add3A_163 = arith.addi %add3A_162, %mul3A_5 : vector<16xi32>
      tpu.vector_store_idx %arg5[%add3A_163], %broadcast_in_dim3A_6 {add = true} : memref<65536xf32, #tpu.memory_space<vmem>>[vector<16xi32>], vector<16xf32>,
      %mul3A_164 = arith.constant 64 : i32
      %mul3A_165 = vector.broadcast %mul3A_164 : i32 to vector<16xi32>
      %mul3A_166 = arith.muli %get3A_62, %mul3A_165 : vector<16xi32>
      %add3A_167 = arith.addi %mul3A_166, %get3A_94 : vector<16xi32>
      %add3A_168 = arith.addi %add3A_167, %mul3A_5 : vector<16xi32>
      tpu.vector_store_idx %arg5[%add3A_168], %broadcast_in_dim3A_6 {add = true} : memref<65536xf32, #tpu.memory_space<vmem>>[vector<16xi32>], vector<16xf32>,
      %mul3A_169 = arith.constant 64 : i32
      %mul3A_170 = vector.broadcast %mul3A_169 : i32 to vector<16xi32>
      %mul3A_171 = arith.muli %get3A_64, %mul3A_170 : vector<16xi32>
      %add3A_172 = arith.addi %mul3A_171, %get3A_96 : vector<16xi32>
      %add3A_173 = arith.addi %add3A_172, %mul3A_5 : vector<16xi32>
      tpu.vector_store_idx %arg5[%add3A_173], %broadcast_in_dim3A_6 {add = true} : memref<65536xf32, #tpu.memory_space<vmem>>[vector<16xi32>], vector<16xf32>,
      %mul3A_174 = arith.constant 64 : i32
      %mul3A_175 = vector.broadcast %mul3A_174 : i32 to vector<16xi32>
      %mul3A_176 = arith.muli %get3A_66, %mul3A_175 : vector<16xi32>
      %add3A_177 = arith.addi %mul3A_176, %get3A_98 : vector<16xi32>
      %add3A_178 = arith.addi %add3A_177, %mul3A_5 : vector<16xi32>
      tpu.vector_store_idx %arg5[%add3A_178], %broadcast_in_dim3A_6 {add = true} : memref<65536xf32, #tpu.memory_space<vmem>>[vector<16xi32>], vector<16xf32>,
    } else {
    }
    %scan3A_31 = arith.constant 0 : i32
    %scan3A_32 = arith.constant 256 : i32
    %scan3A_33 = arith.addi %scan3A_31, %scan3A_32 : i32
    %scan3A_34 = arith.constant 2 : i32
    scf.for %scan3A_36 = %scan3A_31 to %scan3A_33 step %scan3A_34  : i32 {
      %mul3A_37 = arith.constant 1 : i32
      %mul3A_38 = arith.muli %scan3A_36, %mul3A_37 : i32
      %add3A_39 = arith.constant 0 : i32
      %add3A_40 = arith.addi %add3A_39, %mul3A_38 : i32
      %mul3A_41 = arith.constant 16 : i32
      %mul3A_42 = arith.muli %add3A_40, %mul3A_41 : i32
      %add3A_43 = arith.constant 0 : i32
      %add3A_44 = arith.addi %add3A_43, %mul3A_42 : i32
      %get3A = arith.index_cast %add3A_44 : i32 to index
      %get3A_45 = tpu.vector_load %arg5[%get3A] {strides = array<i32>} : memref<65536xf32, #tpu.memory_space<vmem>>, vector<16xf32>,
      %add3A_46 = arith.constant 4096 : i32
      %add3A_47 = arith.addi %add3A_46, %mul3A_42 : i32
      %get3A_48 = arith.index_cast %add3A_47 : i32 to index
      %get3A_49 = tpu.vector_load %arg5[%get3A_48] {strides = array<i32>} : memref<65536xf32, #tpu.memory_space<vmem>>, vector<16xf32>,
      %add3A_50 = arith.constant 8192 : i32
      %add3A_51 = arith.addi %add3A_50, %mul3A_42 : i32
      %get3A_52 = arith.index_cast %add3A_51 : i32 to index
      %get3A_53 = tpu.vector_load %arg5[%get3A_52] {strides = array<i32>} : memref<65536xf32, #tpu.memory_space<vmem>>, vector<16xf32>,
      %add3A_54 = arith.constant 12288 : i32
      %add3A_55 = arith.addi %add3A_54, %mul3A_42 : i32
      %get3A_56 = arith.index_cast %add3A_55 : i32 to index
      %get3A_57 = tpu.vector_load %arg5[%get3A_56] {strides = array<i32>} : memref<65536xf32, #tpu.memory_space<vmem>>, vector<16xf32>,
      %add3A_58 = arith.constant 16384 : i32
      %add3A_59 = arith.addi %add3A_58, %mul3A_42 : i32
      %get3A_60 = arith.index_cast %add3A_59 : i32 to index
      %get3A_61 = tpu.vector_load %arg5[%get3A_60] {strides = array<i32>} : memref<65536xf32, #tpu.memory_space<vmem>>, vector<16xf32>,
      %add3A_62 = arith.constant 20480 : i32
      %add3A_63 = arith.addi %add3A_62, %mul3A_42 : i32
      %get3A_64 = arith.index_cast %add3A_63 : i32 to index
      %get3A_65 = tpu.vector_load %arg5[%get3A_64] {strides = array<i32>} : memref<65536xf32, #tpu.memory_space<vmem>>, vector<16xf32>,
      %add3A_66 = arith.constant 24576 : i32
      %add3A_67 = arith.addi %add3A_66, %mul3A_42 : i32
      %get3A_68 = arith.index_cast %add3A_67 : i32 to index
      %get3A_69 = tpu.vector_load %arg5[%get3A_68] {strides = array<i32>} : memref<65536xf32, #tpu.memory_space<vmem>>, vector<16xf32>,
      %add3A_70 = arith.constant 28672 : i32
      %add3A_71 = arith.addi %add3A_70, %mul3A_42 : i32
      %get3A_72 = arith.index_cast %add3A_71 : i32 to index
      %get3A_73 = tpu.vector_load %arg5[%get3A_72] {strides = array<i32>} : memref<65536xf32, #tpu.memory_space<vmem>>, vector<16xf32>,
      %add3A_74 = arith.constant 32768 : i32
      %add3A_75 = arith.addi %add3A_74, %mul3A_42 : i32
      %get3A_76 = arith.index_cast %add3A_75 : i32 to index
      %get3A_77 = tpu.vector_load %arg5[%get3A_76] {strides = array<i32>} : memref<65536xf32, #tpu.memory_space<vmem>>, vector<16xf32>,
      %add3A_78 = arith.constant 36864 : i32
      %add3A_79 = arith.addi %add3A_78, %mul3A_42 : i32
      %get3A_80 = arith.index_cast %add3A_79 : i32 to index
      %get3A_81 = tpu.vector_load %arg5[%get3A_80] {strides = array<i32>} : memref<65536xf32, #tpu.memory_space<vmem>>, vector<16xf32>,
      %add3A_82 = arith.constant 40960 : i32
      %add3A_83 = arith.addi %add3A_82, %mul3A_42 : i32
      %get3A_84 = arith.index_cast %add3A_83 : i32 to index
      %get3A_85 = tpu.vector_load %arg5[%get3A_84] {strides = array<i32>} : memref<65536xf32, #tpu.memory_space<vmem>>, vector<16xf32>,
      %add3A_86 = arith.constant 45056 : i32
      %add3A_87 = arith.addi %add3A_86, %mul3A_42 : i32
      %get3A_88 = arith.index_cast %add3A_87 : i32 to index
      %get3A_89 = tpu.vector_load %arg5[%get3A_88] {strides = array<i32>} : memref<65536xf32, #tpu.memory_space<vmem>>, vector<16xf32>,
      %add3A_90 = arith.constant 49152 : i32
      %add3A_91 = arith.addi %add3A_90, %mul3A_42 : i32
      %get3A_92 = arith.index_cast %add3A_91 : i32 to index
      %get3A_93 = tpu.vector_load %arg5[%get3A_92] {strides = array<i32>} : memref<65536xf32, #tpu.memory_space<vmem>>, vector<16xf32>,
      %add3A_94 = arith.constant 53248 : i32
      %add3A_95 = arith.addi %add3A_94, %mul3A_42 : i32
      %get3A_96 = arith.index_cast %add3A_95 : i32 to index
      %get3A_97 = tpu.vector_load %arg5[%get3A_96] {strides = array<i32>} : memref<65536xf32, #tpu.memory_space<vmem>>, vector<16xf32>,
      %add3A_98 = arith.constant 57344 : i32
      %add3A_99 = arith.addi %add3A_98, %mul3A_42 : i32
      %get3A_100 = arith.index_cast %add3A_99 : i32 to index
      %get3A_101 = tpu.vector_load %arg5[%get3A_100] {strides = array<i32>} : memref<65536xf32, #tpu.memory_space<vmem>>, vector<16xf32>,
      %add3A_102 = arith.constant 61440 : i32
      %add3A_103 = arith.addi %add3A_102, %mul3A_42 : i32
      %get3A_104 = arith.index_cast %add3A_103 : i32 to index
      %get3A_105 = tpu.vector_load %arg5[%get3A_104] {strides = array<i32>} : memref<65536xf32, #tpu.memory_space<vmem>>, vector<16xf32>,
      %add3A_106 = arith.addf %get3A_45, %get3A_49 : vector<16xf32>
      %add3A_107 = arith.addf %get3A_53, %get3A_57 : vector<16xf32>
      %add3A_108 = arith.addf %get3A_61, %get3A_65 : vector<16xf32>
      %add3A_109 = arith.addf %get3A_69, %get3A_73 : vector<16xf32>
      %add3A_110 = arith.addf %get3A_77, %get3A_81 : vector<16xf32>
      %add3A_111 = arith.addf %get3A_85, %get3A_89 : vector<16xf32>
      %add3A_112 = arith.addf %get3A_93, %get3A_97 : vector<16xf32>
      %add3A_113 = arith.addf %get3A_101, %get3A_105 : vector<16xf32>
      %add3A_114 = arith.addf %add3A_106, %add3A_107 : vector<16xf32>
      %add3A_115 = arith.addf %add3A_108, %add3A_109 : vector<16xf32>
      %add3A_116 = arith.addf %add3A_110, %add3A_111 : vector<16xf32>
      %add3A_117 = arith.addf %add3A_112, %add3A_113 : vector<16xf32>
      %add3A_118 = arith.addf %add3A_114, %add3A_115 : vector<16xf32>
      %add3A_119 = arith.addf %add3A_116, %add3A_117 : vector<16xf32>
      %add3A_120 = arith.addf %add3A_118, %add3A_119 : vector<16xf32>
      %swap3A = arith.index_cast %mul3A_42 : i32 to index
      %swap3A_121 = tpu.vector_load %arg12[%swap3A] {strides = array<i32>} : memref<4096xf32, #tpu.memory_space<vmem>>, vector<16xf32>,
      tpu.vector_store %arg12[%swap3A], %add3A_120 {strides = array<i32>} : memref<4096xf32, #tpu.memory_space<vmem>>, vector<16xf32>,
      %scan3A_122 = arith.constant 1 : i32
      %scan3A_123 = arith.addi %scan3A_36, %scan3A_122 : i32
      %mul3A_124 = arith.constant 1 : i32
      %mul3A_125 = arith.muli %scan3A_123, %mul3A_124 : i32
      %add3A_126 = arith.constant 0 : i32
      %add3A_127 = arith.addi %add3A_126, %mul3A_125 : i32
      %mul3A_128 = arith.constant 16 : i32
      %mul3A_129 = arith.muli %add3A_127, %mul3A_128 : i32
      %add3A_130 = arith.constant 0 : i32
      %add3A_131 = arith.addi %add3A_130, %mul3A_129 : i32
      %get3A_132 = arith.index_cast %add3A_131 : i32 to index
      %get3A_133 = tpu.vector_load %arg5[%get3A_132] {strides = array<i32>} : memref<65536xf32, #tpu.memory_space<vmem>>, vector<16xf32>,
      %add3A_134 = arith.constant 4096 : i32
      %add3A_135 = arith.addi %add3A_134, %mul3A_129 : i32
      %get3A_136 = arith.index_cast %add3A_135 : i32 to index
      %get3A_137 = tpu.vector_load %arg5[%get3A_136] {strides = array<i32>} : memref<65536xf32, #tpu.memory_space<vmem>>, vector<16xf32>,
      %add3A_138 = arith.constant 8192 : i32
      %add3A_139 = arith.addi %add3A_138, %mul3A_129 : i32
      %get3A_140 = arith.index_cast %add3A_139 : i32 to index
      %get3A_141 = tpu.vector_load %arg5[%get3A_140] {strides = array<i32>} : memref<65536xf32, #tpu.memory_space<vmem>>, vector<16xf32>,
      %add3A_142 = arith.constant 12288 : i32
      %add3A_143 = arith.addi %add3A_142, %mul3A_129 : i32
      %get3A_144 = arith.index_cast %add3A_143 : i32 to index
      %get3A_145 = tpu.vector_load %arg5[%get3A_144] {strides = array<i32>} : memref<65536xf32, #tpu.memory_space<vmem>>, vector<16xf32>,
      %add3A_146 = arith.constant 16384 : i32
      %add3A_147 = arith.addi %add3A_146, %mul3A_129 : i32
      %get3A_148 = arith.index_cast %add3A_147 : i32 to index
      %get3A_149 = tpu.vector_load %arg5[%get3A_148] {strides = array<i32>} : memref<65536xf32, #tpu.memory_space<vmem>>, vector<16xf32>,
      %add3A_150 = arith.constant 20480 : i32
      %add3A_151 = arith.addi %add3A_150, %mul3A_129 : i32
      %get3A_152 = arith.index_cast %add3A_151 : i32 to index
      %get3A_153 = tpu.vector_load %arg5[%get3A_152] {strides = array<i32>} : memref<65536xf32, #tpu.memory_space<vmem>>, vector<16xf32>,
      %add3A_154 = arith.constant 24576 : i32
      %add3A_155 = arith.addi %add3A_154, %mul3A_129 : i32
      %get3A_156 = arith.index_cast %add3A_155 : i32 to index
      %get3A_157 = tpu.vector_load %arg5[%get3A_156] {strides = array<i32>} : memref<65536xf32, #tpu.memory_space<vmem>>, vector<16xf32>,
      %add3A_158 = arith.constant 28672 : i32
      %add3A_159 = arith.addi %add3A_158, %mul3A_129 : i32
      %get3A_160 = arith.index_cast %add3A_159 : i32 to index
      %get3A_161 = tpu.vector_load %arg5[%get3A_160] {strides = array<i32>} : memref<65536xf32, #tpu.memory_space<vmem>>, vector<16xf32>,
      %add3A_162 = arith.constant 32768 : i32
      %add3A_163 = arith.addi %add3A_162, %mul3A_129 : i32
      %get3A_164 = arith.index_cast %add3A_163 : i32 to index
      %get3A_165 = tpu.vector_load %arg5[%get3A_164] {strides = array<i32>} : memref<65536xf32, #tpu.memory_space<vmem>>, vector<16xf32>,
      %add3A_166 = arith.constant 36864 : i32
      %add3A_167 = arith.addi %add3A_166, %mul3A_129 : i32
      %get3A_168 = arith.index_cast %add3A_167 : i32 to index
      %get3A_169 = tpu.vector_load %arg5[%get3A_168] {strides = array<i32>} : memref<65536xf32, #tpu.memory_space<vmem>>, vector<16xf32>,
      %add3A_170 = arith.constant 40960 : i32
      %add3A_171 = arith.addi %add3A_170, %mul3A_129 : i32
      %get3A_172 = arith.index_cast %add3A_171 : i32 to index
      %get3A_173 = tpu.vector_load %arg5[%get3A_172] {strides = array<i32>} : memref<65536xf32, #tpu.memory_space<vmem>>, vector<16xf32>,
      %add3A_174 = arith.constant 45056 : i32
      %add3A_175 = arith.addi %add3A_174, %mul3A_129 : i32
      %get3A_176 = arith.index_cast %add3A_175 : i32 to index
      %get3A_177 = tpu.vector_load %arg5[%get3A_176] {strides = array<i32>} : memref<65536xf32, #tpu.memory_space<vmem>>, vector<16xf32>,
      %add3A_178 = arith.constant 49152 : i32
      %add3A_179 = arith.addi %add3A_178, %mul3A_129 : i32
      %get3A_180 = arith.index_cast %add3A_179 : i32 to index
      %get3A_181 = tpu.vector_load %arg5[%get3A_180] {strides = array<i32>} : memref<65536xf32, #tpu.memory_space<vmem>>, vector<16xf32>,
      %add3A_182 = arith.constant 53248 : i32
      %add3A_183 = arith.addi %add3A_182, %mul3A_129 : i32
      %get3A_184 = arith.index_cast %add3A_183 : i32 to index
      %get3A_185 = tpu.vector_load %arg5[%get3A_184] {strides = array<i32>} : memref<65536xf32, #tpu.memory_space<vmem>>, vector<16xf32>,
      %add3A_186 = arith.constant 57344 : i32
      %add3A_187 = arith.addi %add3A_186, %mul3A_129 : i32
      %get3A_188 = arith.index_cast %add3A_187 : i32 to index
      %get3A_189 = tpu.vector_load %arg5[%get3A_188] {strides = array<i32>} : memref<65536xf32, #tpu.memory_space<vmem>>, vector<16xf32>,
      %add3A_190 = arith.constant 61440 : i32
      %add3A_191 = arith.addi %add3A_190, %mul3A_129 : i32
      %get3A_192 = arith.index_cast %add3A_191 : i32 to index
      %get3A_193 = tpu.vector_load %arg5[%get3A_192] {strides = array<i32>} : memref<65536xf32, #tpu.memory_space<vmem>>, vector<16xf32>,
      %add3A_194 = arith.addf %get3A_133, %get3A_137 : vector<16xf32>
      %add3A_195 = arith.addf %get3A_141, %get3A_145 : vector<16xf32>
      %add3A_196 = arith.addf %get3A_149, %get3A_153 : vector<16xf32>
      %add3A_197 = arith.addf %get3A_157, %get3A_161 : vector<16xf32>
      %add3A_198 = arith.addf %get3A_165, %get3A_169 : vector<16xf32>
      %add3A_199 = arith.addf %get3A_173, %get3A_177 : vector<16xf32>
      %add3A_200 = arith.addf %get3A_181, %get3A_185 : vector<16xf32>
      %add3A_201 = arith.addf %get3A_189, %get3A_193 : vector<16xf32>
      %add3A_202 = arith.addf %add3A_194, %add3A_195 : vector<16xf32>
      %add3A_203 = arith.addf %add3A_196, %add3A_197 : vector<16xf32>
      %add3A_204 = arith.addf %add3A_198, %add3A_199 : vector<16xf32>
      %add3A_205 = arith.addf %add3A_200, %add3A_201 : vector<16xf32>
      %add3A_206 = arith.addf %add3A_202, %add3A_203 : vector<16xf32>
      %add3A_207 = arith.addf %add3A_204, %add3A_205 : vector<16xf32>
      %add3A_208 = arith.addf %add3A_206, %add3A_207 : vector<16xf32>
      %swap3A_209 = arith.index_cast %mul3A_129 : i32 to index
      %swap3A_210 = tpu.vector_load %arg12[%swap3A_209] {strides = array<i32>} : memref<4096xf32, #tpu.memory_space<vmem>>, vector<16xf32>,
      tpu.vector_store %arg12[%swap3A_209], %add3A_208 {strides = array<i32>} : memref<4096xf32, #tpu.memory_space<vmem>>, vector<16xf32>,
    }
    %scan3A_35 = arith.constant 256 : i32
    "tpu.region"() ({
      %run_scoped3A = tpu.sem_alloc : memref<!tpu.dma_semaphore, #tpu.memory_space<semaphore_mem>>
      %dma_start3A_36 = arith.constant 0 : i32
      %dma_start3A_37 = tpu.memref_slice %arg4[%add3A, %dma_start3A_36] : memref<32x4096xf32, #tpu.memory_space<hbm>> -> memref<1x4096xf32, #tpu.memory_space<hbm>>
      %dma_start3A_38 = tpu.memref_squeeze %dma_start3A_37 : memref<1x4096xf32, #tpu.memory_space<hbm>> -> memref<4096xf32, #tpu.memory_space<hbm>>
      %dma_start3A_39 = arith.constant 0 : i32
      %dma_start3A_40 = tpu.memref_slice %arg4[%add3A, %dma_start3A_39] : memref<32x4096xf32, #tpu.memory_space<hbm>> -> memref<1x4096xf32, #tpu.memory_space<hbm>>
      %dma_start3A_41 = tpu.memref_squeeze %dma_start3A_40 : memref<1x4096xf32, #tpu.memory_space<hbm>> -> memref<4096xf32, #tpu.memory_space<hbm>>
      tpu.enqueue_dma source(%arg12 : memref<4096xf32, #tpu.memory_space<vmem>>) target(%dma_start3A_41 : memref<4096xf32, #tpu.memory_space<hbm>>) target_semaphore(%run_scoped3A : memref<!tpu.dma_semaphore, #tpu.memory_space<semaphore_mem>>)
      %dma_wait3A = arith.constant 0 : i32
      %dma_wait3A_42 = tpu.memref_slice %arg4[%add3A, %dma_wait3A] : memref<32x4096xf32, #tpu.memory_space<hbm>> -> memref<1x4096xf32, #tpu.memory_space<hbm>>
      %dma_wait3A_43 = tpu.memref_squeeze %dma_wait3A_42 : memref<1x4096xf32, #tpu.memory_space<hbm>> -> memref<4096xf32, #tpu.memory_space<hbm>>
      %dma_wait3A_44 = arith.constant 0 : i32
      %dma_wait3A_45 = tpu.memref_slice %arg4[%add3A, %dma_wait3A_44] : memref<32x4096xf32, #tpu.memory_space<hbm>> -> memref<1x4096xf32, #tpu.memory_space<hbm>>
      %dma_wait3A_46 = tpu.memref_squeeze %dma_wait3A_45 : memref<1x4096xf32, #tpu.memory_space<hbm>> -> memref<4096xf32, #tpu.memory_space<hbm>>
      tpu.wait_dma2 semaphore(%run_scoped3A : memref<!tpu.dma_semaphore, #tpu.memory_space<semaphore_mem>>) src(%arg12 : memref<4096xf32, #tpu.memory_space<vmem>>) dst(%dma_wait3A_46 : memref<4096xf32, #tpu.memory_space<hbm>>)
      tpu.yield
    }) : () -> ()
    return
  }
}

module attributes {stable_mosaic.version = 14 : i64} {
  func.func @_tc_body(%arg0: memref<32x32x128xf32, #tpu.memory_space<vmem>>, %arg1: memref<32x128xf32, #tpu.memory_space<vmem>>, %arg2: memref<1xf32, #tpu.memory_space<smem>>, %arg3: memref<32x128xf32, #tpu.memory_space<vmem>>, %arg4: memref<1xf32, #tpu.memory_space<smem>>) attributes {dimension_semantics = [], scalar_prefetch = 0 : i64, scratch_operands = 0 : i64, tpu.core_type = #tpu.core_type<tc>} {
    %get3A = arith.constant 0 : index
    %get3A_0 = arith.constant 0 : index
    %get3A_1 = vector.load %arg1[%get3A, %get3A_0] : memref<32x128xf32, #tpu.memory_space<vmem>>, vector<32x128xf32>
    %get3A_2 = arith.constant 0 : index
    %get3A_3 = arith.constant 0 : index
    %get3A_4 = arith.constant 0 : index
    %get3A_5 = vector.load %arg0[%get3A_2, %get3A_3, %get3A_4] : memref<32x32x128xf32, #tpu.memory_space<vmem>>, vector<32x32x128xf32>
    %reduce_sum3A = arith.constant dense<0.000000e+00> : vector<32x128xf32>
    %reduce_sum3A_6 = vector.multi_reduction <add>, %get3A_5, %reduce_sum3A [0] : vector<32x32x128xf32> to vector<32x128xf32>
    %add3A = arith.addf %get3A_1, %reduce_sum3A_6 : vector<32x128xf32>
    %swap3A = arith.constant 0 : index
    %swap3A_7 = arith.constant 0 : index
    %swap3A_8 = vector.load %arg3[%swap3A, %swap3A_7] : memref<32x128xf32, #tpu.memory_space<vmem>>, vector<32x128xf32>
    tpu.vector_store %arg3[%swap3A, %swap3A_7], %add3A {strides = array<i32>} : memref<32x128xf32, #tpu.memory_space<vmem>>, vector<32x128xf32>,
    %get3A_9 = arith.constant 0 : index
    %get3A_10 = memref.load %arg2[%get3A_9] : memref<1xf32, #tpu.memory_space<smem>>
    %add3A_11 = arith.constant 4.000000e+06 : f32
    %add3A_12 = arith.addf %get3A_10, %add3A_11 : f32
    %swap3A_13 = arith.constant 0 : index
    %swap3A_14 = memref.load %arg4[%swap3A_13] : memref<1xf32, #tpu.memory_space<smem>>
    memref.store %add3A_12, %arg4[%swap3A_13] : memref<1xf32, #tpu.memory_space<smem>>
    return
  }
}

</mosaic_0001>

<sc_bundles>
// kernel: kernel.4.cloned.1.call-start
scs
__scs_entry_jumppad:
0x0: {  	(pc) =	sbr.rel $0x88, $3  }
0x1: {  	(tag) =	ssettag $0x0;
	lr =	simm.s32 $0x1  }
0x2: {  	[smem:$0x3F9D] =	sst lr;
	_ =	strace $0xD0000000  }
0x3: {  	_ = 	snop  }
0x4: {  	_ = 	snop  }
0x5: {  	_ = 	snop  }
0x6: {  	_ = 	snop  }
0x7: {  	_ = 	snop  }
__scs_overlays_trampoline_lowered:
0x8: {  	[smem:$0x3FAC] =	sst s0  }
0x9: {  	[smem:$0x3FAD] =	sst s1  }
0xa: {  	[smem:$0x3FAE] =	sst s2  }
0xb: {  	[smem:$0x3FAF] =	sst s3  }
0xc: {  	[smem:$0x3FB0] =	sst s4  }
0xd: {  	[smem:$0x3FB1] =	sst s5  }
0xe: {  	[smem:$0x3FB2] =	sst s6  }
0xf: {  	[smem:$0x3FB3] =	sst s7  }
0x10: {  	[smem:$0x3FB4] =	sst s8  }
0x11: {  	[smem:$0x3FB5] =	sst s9;
	s0 =	simm.s32 @!p0 $0x0  }
0x12: {  	s1 =	sld [smem:$0x3F9B];
	s0 =	simm.s32 @p0 $0x1  }
0x13: {  	[smem:$0x3FB6] =	sst s0;
	s0 =	simm.s32 @!p1 $0x0  }
0x14: {  	s2 =	sld [smem:$0x3F9A];
	s0 =	simm.s32 @p1 $0x1  }
0x15: {  	[smem:$0x3FB7] =	sst s0;
	s0 =	simm.s32 @!p2 $0x0  }
0x16: {  	s3 =	sld [smem:$0x3FDB];
	s0 =	simm.s32 @p2 $0x1  }
0x17: {  	s4 =	simm.s32 $0x1BF5;
	[smem:$0x3FB9] =	sst s0  }
0x18: {  	s0 =	sld [smem:$0x3F9C];
	_ =	swait.ge [sflag:s4], $0x0  }
0x19: {  	s7 =	sld [smem:$0x3F9D]  }
0x1a: {  	s8 =	sadd.s32 $0xFFFFE003, lr  }
0x1b: {  	s9 =	sadd.s32 $0xFFFFFEF7, lr;
	s5 =	simm.s32 $0xFFFFFFFF;
	p2 =	slt.u32 s8, $0xFFFFF086  }
0x1c: {  	p1 =	slt.u32 s9, $0xF7A;
	s5 =	simm.s32 @!p2 $0x0  }
0x1d: {  	s5 =	simm.s32 @p1 $0x1;
	p0 =	seq.s32 s7, s2  }
0x1e: {  	s7 =	smul.u32 @!p0 $0xF7A, s2;
	p2 =	seq.s32 @!p0 s5, $0x0  }
0x1f: {  	s9 =	smul.u32 $0xF7A, s1;
	s8 =	simm.s32 @!p0 $0x1BF5;
	p2 =	por !p2, p0  }
0x20: {  	[sflag:s8] =	ssyncset.s32 @!p0 $0xFFFFF086;
	s6 =	sadd.s32 @!p0 s3, s7;
	s7 =	simm.s32 @!p0 $0x108  }
0x21: {  	s3 =	sadd.s32 s3, s9;
	s6 =	sadd.s32 @!p0 $0x88, s6;
	s7 =	simm.s32 @p2 $0x1082  }
0x22: {  	[simem:s7], [sflag:s8] =	dma.local @!p0 [hbm:s6], $0xF7A  }
0x23: {  	s9 =	sor.u32 $0xD0000000, s2;
	s6 =	simm.s32 $0x108;
	_ =	swait.ge @!p0 [sflag:s8], $0x0  }
0x24: {  	s3 =	sadd.s32 $0x88, s3;
	s6 =	simm.s32 @!p1 $0x1082;
	[sflag:s4] =	ssyncset.s32 $0xFFFFF086  }
0x25: {  	[simem:s6], [sflag:s4] =	dma.local [hbm:s3], $0xF7A  }
0x26: {  	[smem:$0x3F9D] =	sst s1;
	(tag) =	ssettag s2;
	_ =	strace s9  }
0x27: {  	s1 =	sld [smem:$0x3FAD]  }
0x28: {  	s2 =	sld [smem:$0x3FAE]  }
0x29: {  	s4 =	sld [smem:$0x3FB0]  }
0x2a: {  	p0 =	seq.s32 s5, $0x0;
	s5 =	sld [smem:$0x3FB1]  }
0x2b: {  	s6 =	sld [smem:$0x3FB2]  }
0x2c: {  	s7 =	sld [smem:$0x3FB3]  }
0x2d: {  	s3 =	simm.s32 $0x108;
	s8 =	sld [smem:$0x3FB4]  }
0x2e: {  	s3 =	simm.s32 @!p0 $0x1082;
	s9 =	sld [smem:$0x3FB5]  }
0x2f: {  	lr =	sadd.s32 s0, s3;
	s0 =	sld [smem:$0x3FAC]  }
0x30: {  	s3 =	sld [smem:$0x3FAF]  }
0x31: {  	[smem:$0x3FB8] =	sst s10  }
0x32: {  	s10 =	sld [smem:$0x3FB6];
	_ =	sdelay $0x3  }
0x33: {  	p0 =	seq.s32 s10, $0x1;
	s10 =	sld [smem:$0x3FB8];
	_ =	sdelay $0x3  }
0x34: {  	[smem:$0x3FB8] =	sst s10  }
0x35: {  	s10 =	sld [smem:$0x3FB7];
	_ =	sdelay $0x3  }
0x36: {  	p1 =	seq.s32 s10, $0x1;
	s10 =	sld [smem:$0x3FB8];
	_ =	sdelay $0x3  }
0x37: {  	[smem:$0x3FB8] =	sst s10  }
0x38: {  	s10 =	sld [smem:$0x3FB9]  }
0x39: {  	_ = 	snop;
	(pc) =	sbr.ind lr, $3  }
0x3a: {  	_ = 	snop  }
0x3b: {  	_ = 	snop  }
0x3c: {  	p2 =	seq.s32 s10, $0x1;
	s10 =	sld [smem:$0x3FB8]  }
0x3d: {  	_ =	shalt  }
0x3e: {  	_ =	shalt  }
0x3f: {  	_ =	shalt  }
0x40: {  	_ =	shalt  }
0x41: {  	_ =	shalt  }
0x42: {  	_ =	shalt  }
0x43: {  	_ =	shalt  }
0x44: {  	_ =	shalt  }
0x45: {  	_ =	shalt  }
0x46: {  	_ =	shalt  }
0x47: {  	_ =	shalt  }
0x48: {  	_ =	shalt  }
0x49: {  	_ =	shalt  }
0x4a: {  	_ =	shalt  }
0x4b: {  	_ =	shalt  }
0x4c: {  	_ =	shalt  }
0x4d: {  	_ =	shalt  }
0x4e: {  	_ =	shalt  }
0x4f: {  	_ =	shalt  }
0x50: {  	_ =	shalt  }
0x51: {  	_ =	shalt  }
0x52: {  	_ =	shalt  }
0x53: {  	_ =	shalt  }
0x54: {  	_ =	shalt  }
0x55: {  	_ =	shalt  }
0x56: {  	_ =	shalt  }
0x57: {  	_ =	shalt  }
0x58: {  	_ =	shalt  }
0x59: {  	_ =	shalt  }
0x5a: {  	_ =	shalt  }
0x5b: {  	_ =	shalt  }
0x5c: {  	_ =	shalt  }
0x5d: {  	_ =	shalt  }
0x5e: {  	_ =	shalt  }
0x5f: {  	_ =	shalt  }
0x60: {  	_ =	shalt  }
0x61: {  	_ =	shalt  }
0x62: {  	_ =	shalt  }
0x63: {  	_ =	shalt  }
0x64: {  	_ =	shalt  }
0x65: {  	_ =	shalt  }
0x66: {  	_ =	shalt  }
0x67: {  	_ =	shalt  }
0x68: {  	_ =	shalt  }
0x69: {  	_ =	shalt  }
0x6a: {  	_ =	shalt  }
0x6b: {  	_ =	shalt  }
0x6c: {  	_ =	shalt  }
0x6d: {  	_ =	shalt  }
0x6e: {  	_ =	shalt  }
0x6f: {  	_ =	shalt  }
0x70: {  	_ =	shalt  }
0x71: {  	_ =	shalt  }
0x72: {  	_ =	shalt  }
0x73: {  	_ =	shalt  }
0x74: {  	_ =	shalt  }
0x75: {  	_ =	shalt  }
0x76: {  	_ =	shalt  }
0x77: {  	_ =	shalt  }
0x78: {  	_ =	shalt  }
0x79: {  	_ =	shalt  }
0x7a: {  	_ =	shalt  }
0x7b: {  	_ =	shalt  }
0x7c: {  	_ =	shalt  }
0x7d: {  	_ =	shalt  }
0x7e: {  	_ =	shalt  }
0x7f: {  	_ =	shalt  }
0x80: {  	_ =	shalt  }
0x81: {  	_ =	shalt  }
0x82: {  	_ =	shalt  }
0x83: {  	_ =	shalt  }
0x84: {  	_ =	shalt  }
0x85: {  	_ =	shalt  }
0x86: {  	_ =	shalt  }
0x87: {  	_ =	shalt  }
.Lfunc_end0:
.L_simem_size_0:
called_computation_lowered:
.L_overlay_start_0:
0x88: {  	s2 =	sld [smem:$0x3FD9]  }
0x89: {  	s3 =	sld [smem:$0x3FFE];
	_ =	sdelay $0x1  }
0x8a: {  	s1 =	srdreg.scid  }
0x8b: {  	s0 =	sand.u32 $0x1, s1  }
0x8c: {  	s17 =	sshll.u32 s0, $0xA;
	s2 =	sadd.s32 s3, s2  }
0x8d: {  	s2 =	sadd.s32 s2, s17  }
0x8e: {  	[smem:$0x3FC4] =	sst s2  }
0x8f: {  	_ = 	snop  }
0x90: {  	s2 =	sld [smem:$0x3FC9]  }
0x91: {  	s18 =	sld [smem:$0x3FC8];
	(tm) =	ssettm $0x1  }
0x92: {  	s4 =	sld [smem:$0x3FFB];
	_ =	sdelay $0x3  }
0x93: {  	_ =	strace s4  }
0x94: {  	s4 =	sld [smem:$0x3FFC];
	_ =	sdelay $0x3  }
0x95: {  	_ =	strace s4  }
0x96: {  	s4 =	sld [smem:$0x3FFD];
	_ =	sdelay $0x3  }
0x97: {  	_ =	strace s4  }
0x98: {  	_ =	strace $0x8FFFFFFF  }
0x99: {  	s19 =	sld [smem:$0x3FDB];
	_ =	sdelay $0x1  }
0x9a: {  	s5 =	simm.s32 $_scs_section_size  }
0x9b: {  	s6 =	simm.s32 $_size__tile_overlayer_lowered;
	s7 =	simm.s32 $_tile_overlayer_lowered  }
0x9c: {  	s22 =	simm.s32 $0x1BFF;
	s21 =	sshll.u32 s7, $0x1;
	s4 =	sadd.s32 s5, s19  }
0x9d: {  	s8 =	simm.s32 $0x0;
	s20 =	sshll.u32 s6, $0x1;
	s6 =	sadd.s32 s21, s4  }
0x9e: {  	[timem:s8], [sflag:s22] =	dma.local [hbm:s6], s20  }
0x9f: {  	_ =	swait.ge [sflag:s22], s20  }
0xa0: {  	s5 =	ssub.s32 $0x0, s20;
	[sflag:s22] =	ssyncset.done $0x0  }
0xa1: {  	[sflag:s22] =	ssyncadd.s32 s5;
	_ =	sdelay $0x1  }
0xa2: {  	s23 =	simm.s32 $0x1B8B  }
0xa3: {  	_ =	swait.ge [sflag:s23], $0x1  }
0xa4: {  	[sflag:s23] =	ssyncset.done $0x0  }
0xa5: {  	s25 =	simm.s32 $0x1B8E;
	s24 =	sld [smem:$0x3FFE];
	[sflag:s23] =	ssyncadd.s32 $0xFFFFFFFF  }
0xa6: {  	s26 =	simm.s32 $execute0_lowered;
	[smem:$0x3FD2] =	sst s25  }
0xa7: {  	s6 =	sshll.u32 s26, $0x1;
	_ =	strace $0x80000046;
	[dreg:$0x1] =	wrdreg $0xFFFFFFFF  }
0xa8: {  	s28 =	simm.s32 $_size_execute0_lowered;
	s4 =	sadd.s32 s4, s6;
	[dreg:$0x0] =	wrdreg $0x0  }
0xa9: {  	s6 =	sshll.u32 s28, $0x1;
	[dreg:$0x2] =	wrdreg s4  }
0xaa: {  	[dreg:$0x3] =	wrdreg s6  }
0xab: {  	[dreg:$0x4] =	wrdreg $0xC0  }
0xac: {  	_ =	task [dreg:s8], $0x5FFFF  }
0xad: {  	[dreg:$0x1] =	wrdreg $0xFFFFFFFF  }
0xae: {  	[dreg:$0x0] =	wrdreg $0x60  }
0xaf: {  	[dreg:$0x2] =	wrdreg s2  }
0xb0: {  	[dreg:$0x3] =	wrdreg s18  }
0xb1: {  	[dreg:$0x4] =	wrdreg s24  }
0xb2: {  	[dreg:$0x5] =	wrdreg $0x9  }
0xb3: {  	_ =	task.clear_ibuf [dreg:s8], $0x6FFFF;
	_ =	strace $0x90000046  }
0xb4: {  	s29 =	simm.s32 $0x9;
	_ =	strace $0x80000048  }
0xb5: {  	_ =	swait.ge [sflag:s29], $0x1  }
0xb6: {  	[sflag:s29] =	ssyncadd.s32 $0xFFFFFFFF  }
0xb7: {  	_ =	strace $0x90000048  }
0xb8: {  	_ =	sfence  }
0xb9: {  	s30 =	sld [smem:$0x0];
	_ =	sdelay $0x2  }
0xba: {  	s31 =	sshll.u32 s1, $0xD;
	s1 =	sshrl.u32 s1, $0x2  }
0xbb: {  	s3 =	sand.u32 $0x4000, s31;
	s1 =	sadd.s32 s1, s30  }
0xbc: {  	s0 =	sor.u32 s3, s0;
	s1 =	sshll.u32 s1, $0x11  }
0xbd: {  	s0 =	sor.u32 s1, s0  }
0xbe: {  	s0 =	sadd.s32 $0x8F2B, s0  }
0xbf: {  	[sflag:s0] =	ssyncadd.remote.s32 $0x1  }
0xc0: {  	_ =	sfence.sel $0xFFFF  }
0xc1: {  	[dreg:$0x0] =	wrdreg $0xFFFFFFFF;
	(pc) =	sbr.abs _section_cstart, $3  }
0xc2: {  	[dreg:$0x1] =	wrdreg $0xFFFFFFFF  }
0xc3: {  	_ =	task.clear_ibuf [dreg:s8], $0x2FFFF;
	_ =	strace $0x9FFFFFFF  }
0xc4: {  	(tm) =	ssettm $0x7FFFFFFF  }
0xc5: {  	_ =	shalt  }
tec
execute0_lowered:
.L_overlay_start_1:
0x0: {  	(tag) =	ssettag $0x1  }
0x1: {  	s2 =	rddreg [dreg:$0x0]  }
0x2: {  	s3 =	rddreg [dreg:$0x1]  }
0x3: {  	s0 =	rddreg [dreg:$0x2];
	s6 =	stileid.u32  }
0x4: {  	s1 =	srdreg.scid;
	s4 =	simm.s32 $0x0;
	s16 =	simm.s32 $0x12900  }
0x5: {  	s17 =	simm.s32 $0x15200;
	s18 =	simm.s32 $0x17B00;
	s19 =	simm.s32 $0x1  }
0x6: {  	s20 =	simm.s32 $0x2;
	s21 =	simm.s32 $0x3;
	s22 =	simm.s32 $0x4  }
0x7: {  	s24 =	simm.s32 $0x5;
	s28 =	simm.s32 $0x400;
	s29 =	simm.s32 $0x1A600  }
0x8: {  	s30 =	simm.s32 $0x0;
	s1 =	sand.u32 $0x1, s1;
	s5 =	sshll.u32 s6, $0x1  }
0x9: {  	[smem:$0x7FF] =	sst s4;
	s26 =	sshll.u32 s6, $0xA;
	s12 =	sadd.s32 $0x7A100, s3  }
0xa: {  	s15 =	sor.u32 s1, s5;
	s1 =	ssub.s32 $0x2, s1;
	_ =	strace $0x80000047  }
0xb: {  	s5 =	sand.u32 $0x3000, s26;
	s26 =	simm.s32 $0x80;
	s10 =	smul.u32 $0x1E840, s15  }
0xc: {  	s31 =	sshrl.u32 s1, $0x1;
	s0 =	sadd.s32 s5, s0;
	s11 =	sshll.u32 s15, $0x4  }
0xd: {  	p0 =	sne.s32 s15, $0x1F;
	s1 =	ssub.s32 s1, s31;
	s13 =	sand.u32 $0x70, s11  }
0xe: {  	s11 =	sadd.s32 $0x7A100, s2;
	s7 =	sshrl.u32 s10, $0x3;
	s9 =	sadd.s32 $0x5160, s10  }
0xf: {  	s10 =	sadd.s32 $0x7A10, s10;
	s0 =	sadd.s32 s13, s0;
	s14 =	smax.u32 s1, $0x1  }
0x10: {  	v1 =	vlaneseq.u32;
	s5 =	sadd.s32 s2, s7;
	s6 =	sadd.s32 s3, s7;
	s8 =	sadd.s32 $0x516, s7  }
0x11: {  	v0 =	vimm.f32 $0.0e+00;
	v2 =	vimm.f32 $1.000000000e+00;
	v1 =	vmul.u32 $0x1000, v1;
	s13 =	sadd.s32 $0x800, s0;
	s7 =	sadd.s32 s2, s8;
	s8 =	sadd.s32 s3, s8  }
.LBB2_1:
0x12: {  	s0 =	simm.s32 $0x10000  }
0x13: {  	[tilespmem:s0], [sflag:$0x1] =	stream.linear.gather [hbm4b:s5+s4], $0x28B0, $0x38;
	[tilespmem:$0x1B600] =	vst v63  }
0x14: {  	_ = 	snop  }
0x15: {  	[tilespmem:s16], [sflag:$0x2] =	stream.linear.gather [hbm4b:s6+s4], $0x28B0, $0x38;
	[tilespmem:$0x1B600] =	vst v63  }
0x16: {  	_ = 	snop  }
0x17: {  	[tilespmem:s17], [sflag:$0x3] =	stream.linear.gather [hbm4b:s7+s4], $0x28B0, $0x38;
	[tilespmem:$0x1B600] =	vst v63  }
0x18: {  	_ = 	snop  }
0x19: {  	[tilespmem:s18], [sflag:$0x4] =	stream.linear.gather [hbm4b:s8+s4], $0x28B0, $0x38;
	[tilespmem:$0x1B600] =	vst v63  }
0x1a: {  	[tilespmem:s26+$0xFFFFFF80] =	vst v0  }
0x1b: {  	[tilespmem:s26+$0x70] =	vst v0  }
0x1c: {  	[tilespmem:s26+$0x60] =	vst v0  }
0x1d: {  	[tilespmem:s26+$0x50] =	vst v0  }
0x1e: {  	[tilespmem:s26+$0x40] =	vst v0  }
0x1f: {  	[tilespmem:s26+$0x30] =	vst v0  }
0x20: {  	[tilespmem:s26+$0x20] =	vst v0  }
0x21: {  	[tilespmem:s26+$0x10] =	vst v0  }
0x22: {  	[tilespmem:s26+$0x0] =	vst v0  }
0x23: {  	[tilespmem:s26+$0xFFFFFFF0] =	vst v0  }
0x24: {  	[tilespmem:s26+$0xFFFFFFE0] =	vst v0  }
0x25: {  	[tilespmem:s26+$0xFFFFFFD0] =	vst v0  }
0x26: {  	[tilespmem:s26+$0xFFFFFFC0] =	vst v0  }
0x27: {  	[tilespmem:s26+$0xFFFFFFB0] =	vst v0  }
0x28: {  	s1 =	simm.s32 $0x80;
	s0 =	simm.s32 $0x0;
	[tilespmem:s26+$0xFFFFFFA0] =	vst v0  }
.LBB2_2:
0x29: {  	s0 =	sadd.s32 $0x10, s0;
	[tilespmem:s1+$0xFFFFFF90] =	vst v0;
	s1 =	sadd.s32 $0x100, s1  }
0x2a: {  	[tilespmem:s1+$0xFFFFFF80] =	vst v0;
	p1 =	slt.u32 s0, $0xFF0  }
0x2b: {  	[tilespmem:s1+$0x70] =	vst v0  }
0x2c: {  	[tilespmem:s1+$0x60] =	vst v0  }
0x2d: {  	[tilespmem:s1+$0x50] =	vst v0  }
0x2e: {  	[tilespmem:s1+$0x40] =	vst v0  }
0x2f: {  	[tilespmem:s1+$0x30] =	vst v0  }
0x30: {  	[tilespmem:s1+$0x20] =	vst v0  }
0x31: {  	[tilespmem:s1+$0x10] =	vst v0  }
0x32: {  	[tilespmem:s1+$0x0] =	vst v0  }
0x33: {  	[tilespmem:s1+$0xFFFFFFF0] =	vst v0  }
.Ltmp0:
0x34: {  	[tilespmem:s1+$0xFFFFFFE0] =	vst v0;
	(pc) =	sbr.rel @p1 .LBB2_2-.Ltmp0, $4  }
0x35: {  	[tilespmem:s1+$0xFFFFFFD0] =	vst v0  }
0x36: {  	[tilespmem:s1+$0xFFFFFFC0] =	vst v0  }
0x37: {  	[tilespmem:s1+$0xFFFFFFB0] =	vst v0  }
0x38: {  	[tilespmem:s1+$0xFFFFFFA0] =	vst v0  }
0x39: {  	[tilespmem:s1+$0xFFFFFF90] =	vst v0;
	s31 =	simm.s32 $0x0;
	s0 =	simm.s32 $0x0  }
.LBB2_4:
0x3a: {  	_ =	swait.ge [sflag:s19], $0x28B0  }
0x3b: {  	[sflag:s19] =	ssyncset.done $0x0  }
0x3c: {  	[sflag:s19] =	ssyncadd.s32 $0xFFFFD750  }
0x3d: {  	_ =	swait.ge [sflag:s20], $0x28B0  }
0x3e: {  	[sflag:s20] =	ssyncset.done $0x0  }
0x3f: {  	s1 =	simm.s32 $0x129A0;
	[sflag:s20] =	ssyncadd.s32 $0xFFFFD750  }
0x40: {  	v3 =	vld [tilespmem:s1+$0xA0]  }
0x41: {  	v4 =	vld [tilespmem:s1+$0x90]  }
0x42: {  	v5 =	vld [tilespmem:s1+$0x80]  }
0x43: {  	s23 =	simm.s32 $0x100A0;
	v6 =	vld [tilespmem:s1+$0x70]  }
0x44: {  	v7 =	vld [tilespmem:s23+$0x50]  }
0x45: {  	v8 =	vld [tilespmem:s1+$0x50]  }
0x46: {  	v9 =	vld [tilespmem:s1+$0x40]  }
0x47: {  	v10 =	vld [tilespmem:s1+$0x30]  }
0x48: {  	v11 =	vld [tilespmem:s1+$0x20]  }
0x49: {  	v12 =	vld [tilespmem:s1+$0x10]  }
0x4a: {  	v13 =	vld [tilespmem:s1+$0x0]  }
0x4b: {  	v14 =	vld [tilespmem:s23+$0xA0]  }
0x4c: {  	v15 =	vld [tilespmem:s23+$0x90]  }
0x4d: {  	v16 =	vld [tilespmem:s23+$0x80]  }
0x4e: {  	s15 =	sand.u32 $0x3FF0, s31;
	v17 =	vld [tilespmem:s23+$0x70]  }
0x4f: {  	v18 =	vld [tilespmem:s15+$0x10100]  }
0x50: {  	v19 =	vld [tilespmem:s15+$0x12A00]  }
0x51: {  	v20 =	vld [tilespmem:s23+$0x40]  }
0x52: {  	v21 =	vld [tilespmem:s23+$0x30]  }
0x53: {  	v22 =	vld [tilespmem:s23+$0x20]  }
0x54: {  	v23 =	vld [tilespmem:s1+$0xFFFFFFF0]  }
0x55: {  	v24 =	vld [tilespmem:s15+$0x12980]  }
0x56: {  	v25 =	vld [tilespmem:s1+$0xFFFFFFD0]  }
0x57: {  	v26 =	vld [tilespmem:s1+$0xFFFFFFC0]  }
0x58: {  	v27 =	vld [tilespmem:s1+$0xFFFFFFB0]  }
0x59: {  	v28 =	vld [tilespmem:s1+$0xFFFFFFA0]  }
0x5a: {  	v29 =	vld [tilespmem:s1+$0xFFFFFF90]  }
0x5b: {  	v30 =	vld [tilespmem:s1+$0xFFFFFF80]  }
0x5c: {  	v31 =	vld [tilespmem:s1+$0xFFFFFF70]  }
0x5d: {  	v32 =	vld [tilespmem:s1+$0xFFFFFF60]  }
0x5e: {  	v33 =	vld [tilespmem:s23+$0xFFFFFF60]  }
0x5f: {  	v34 =	vld [tilespmem:s23+$0xFFFFFF70]  }
0x60: {  	v35 =	vld [tilespmem:s23+$0xFFFFFF80]  }
0x61: {  	v36 =	vld [tilespmem:s23+$0xFFFFFF90]  }
0x62: {  	v37 =	vld [tilespmem:s23+$0xFFFFFFA0]  }
0x63: {  	v38 =	vld [tilespmem:s23+$0xFFFFFFB0];
	v33 =	vshll.u32 v33, $0x6  }
0x64: {  	v49 =	vld [tilespmem:s23+$0xFFFFFFC0];
	v34 =	vshll.u32 v34, $0x6;
	v32 =	vadd.s32 v32, v33  }
0x65: {  	v50 =	vld [tilespmem:s23+$0xFFFFFFD0];
	v35 =	vshll.u32 v35, $0x6;
	v31 =	vadd.s32 v31, v34;
	v32 =	vadd.s32 v1, v32  }
0x66: {  	v51 =	vld [tilespmem:s15+$0x10080];
	v36 =	vshll.u32 v36, $0x6;
	v30 =	vadd.s32 v30, v35;
	v31 =	vadd.s32 v1, v31  }
0x67: {  	v52 =	vld [tilespmem:s23+$0xFFFFFFF0];
	v37 =	vshll.u32 v37, $0x6;
	v29 =	vadd.s32 v29, v36;
	v30 =	vadd.s32 v1, v30  }
0x68: {  	v53 =	vld [tilespmem:s23+$0x0];
	v38 =	vshll.u32 v38, $0x6;
	v28 =	vadd.s32 v28, v37;
	v29 =	vadd.s32 v1, v29  }
0x69: {  	v54 =	vld [tilespmem:s23+$0x10];
	v27 =	vadd.s32 v27, v38;
	v33 =	vshll.u32 v49, $0x6;
	v28 =	vadd.s32 v1, v28  }
0x6a: {  	v55 =	vshll.u32 v50, $0x6;
	v26 =	vadd.s32 v26, v33;
	v27 =	vadd.s32 v1, v27;
	[tilespmem:v32+s4+$0x0] =	vst.idx.add.f32.msk $0xffff, v2  }
0x6b: {  	v56 =	vshll.u32 v51, $0x6;
	v25 =	vadd.s32 v25, v55;
	v26 =	vadd.s32 v1, v26;
	[tilespmem:v31+s4+$0x0] =	vst.idx.add.f32.msk $0xffff, v2  }
0x6c: {  	v57 =	vshll.u32 v52, $0x6;
	v24 =	vadd.s32 v24, v56;
	v25 =	vadd.s32 v1, v25;
	[tilespmem:v30+s4+$0x0] =	vst.idx.add.f32.msk $0xffff, v2  }
0x6d: {  	v58 =	vshll.u32 v53, $0x6;
	v23 =	vadd.s32 v23, v57;
	v24 =	vadd.s32 v1, v24;
	[tilespmem:v29+s4+$0x0] =	vst.idx.add.f32.msk $0xffff, v2  }
0x6e: {  	v59 =	vshll.u32 v54, $0x6;
	v13 =	vadd.s32 v13, v58;
	v23 =	vadd.s32 v1, v23;
	[tilespmem:v28+s4+$0x0] =	vst.idx.add.f32.msk $0xffff, v2  }
0x6f: {  	v22 =	vshll.u32 v22, $0x6;
	v12 =	vadd.s32 v12, v59;
	v13 =	vadd.s32 v1, v13;
	[tilespmem:v27+s4+$0x0] =	vst.idx.add.f32.msk $0xffff, v2  }
0x70: {  	v21 =	vshll.u32 v21, $0x6;
	v11 =	vadd.s32 v11, v22;
	v12 =	vadd.s32 v1, v12;
	[tilespmem:v26+s4+$0x0] =	vst.idx.add.f32.msk $0xffff, v2  }
0x71: {  	v20 =	vshll.u32 v20, $0x6;
	v10 =	vadd.s32 v10, v21;
	v11 =	vadd.s32 v1, v11;
	[tilespmem:v25+s4+$0x0] =	vst.idx.add.f32.msk $0xffff, v2  }
0x72: {  	v7 =	vshll.u32 v7, $0x6;
	v9 =	vadd.s32 v9, v20;
	v10 =	vadd.s32 v1, v10;
	[tilespmem:v24+s4+$0x0] =	vst.idx.add.f32.msk $0xffff, v2  }
0x73: {  	v60 =	vshll.u32 v18, $0x6;
	v7 =	vadd.s32 v8, v7;
	v9 =	vadd.s32 v1, v9;
	[tilespmem:v23+s4+$0x0] =	vst.idx.add.f32.msk $0xffff, v2  }
0x74: {  	v17 =	vshll.u32 v17, $0x6;
	v8 =	vadd.s32 v19, v60;
	v7 =	vadd.s32 v1, v7;
	[tilespmem:v13+s4+$0x0] =	vst.idx.add.f32.msk $0xffff, v2  }
0x75: {  	v61 =	vshll.u32 v16, $0x6;
	v6 =	vadd.s32 v6, v17;
	v8 =	vadd.s32 v1, v8;
	[tilespmem:v12+s4+$0x0] =	vst.idx.add.f32.msk $0xffff, v2  }
0x76: {  	v62 =	vshll.u32 v15, $0x6;
	v5 =	vadd.s32 v5, v61;
	v6 =	vadd.s32 v1, v6;
	[tilespmem:v11+s4+$0x0] =	vst.idx.add.f32.msk $0xffff, v2  }
0x77: {  	v63 =	vshll.u32 v14, $0x6;
	v4 =	vadd.s32 v4, v62;
	v5 =	vadd.s32 v1, v5;
	[tilespmem:v10+s4+$0x0] =	vst.idx.add.f32.msk $0xffff, v2  }
0x78: {  	v3 =	vadd.s32 v3, v63;
	v4 =	vadd.s32 v1, v4;
	[tilespmem:v9+s4+$0x0] =	vst.idx.add.f32.msk $0xffff, v2  }
0x79: {  	v3 =	vadd.s32 v1, v3;
	[tilespmem:v7+s4+$0x0] =	vst.idx.add.f32.msk $0xffff, v2  }
0x7a: {  	[tilespmem:v8+s4+$0x0] =	vst.idx.add.f32.msk $0xffff, v2  }
0x7b: {  	[tilespmem:v6+s4+$0x0] =	vst.idx.add.f32.msk $0xffff, v2  }
0x7c: {  	[tilespmem:v5+s4+$0x0] =	vst.idx.add.f32.msk $0xffff, v2  }
0x7d: {  	s25 =	simm.s32 $0x150;
	[tilespmem:v4+s4+$0x0] =	vst.idx.add.f32.msk $0xffff, v2  }
.LBB2_5:
0x7e: {  	p1 =	sne.s32 s25, $0x2760;
	[tilespmem:v3+s4+$0x0] =	vst.idx.add.f32.msk $0xffff, v2;
	s23 =	sadd.s32 $0x150, s23;
	s1 =	sadd.s32 $0x150, s1  }
0x7f: {  	s15 =	smov.u32 s25;
	s25 =	sadd.s32 $0x150, s25;
	v4 =	vld [tilespmem:s1+$0xA0]  }
0x80: {  	v5 =	vld [tilespmem:s1+$0x90]  }
0x81: {  	v7 =	vld [tilespmem:s1+$0x80]  }
0x82: {  	v8 =	vld [tilespmem:s1+$0x70]  }
0x83: {  	v3 =	vld [tilespmem:s23+$0x50]  }
0x84: {  	v9 =	vld [tilespmem:s1+$0x50]  }
0x85: {  	v10 =	vld [tilespmem:s1+$0x40]  }
0x86: {  	v11 =	vld [tilespmem:s1+$0x30]  }
0x87: {  	v12 =	vld [tilespmem:s1+$0x20]  }
0x88: {  	v6 =	vld [tilespmem:s1+$0x10];
	v3 =	vshll.u32 v3, $0x6  }
0x89: {  	v13 =	vld [tilespmem:s1+$0x0];
	v3 =	vadd.s32 v9, v3  }
0x8a: {  	v9 =	vld [tilespmem:s23+$0xA0]  }
0x8b: {  	v14 =	vld [tilespmem:s23+$0x90]  }
0x8c: {  	v15 =	vld [tilespmem:s23+$0x80]  }
0x8d: {  	s15 =	sand.u32 $0x3FF0, s15;
	v16 =	vld [tilespmem:s23+$0x70]  }
0x8e: {  	v17 =	vld [tilespmem:s15+$0x10100]  }
0x8f: {  	v18 =	vld [tilespmem:s15+$0x12A00];
	v9 =	vshll.u32 v9, $0x6  }
0x90: {  	v19 =	vld [tilespmem:s23+$0x40];
	v14 =	vshll.u32 v14, $0x6;
	v4 =	vadd.s32 v4, v9  }
0x91: {  	v9 =	vld [tilespmem:s23+$0x30];
	v15 =	vshll.u32 v15, $0x6;
	v5 =	vadd.s32 v5, v14  }
0x92: {  	v14 =	vld [tilespmem:s23+$0x20];
	v16 =	vshll.u32 v16, $0x6;
	v7 =	vadd.s32 v7, v15  }
0x93: {  	v15 =	vld [tilespmem:s1+$0xFFFFFFF0];
	v17 =	vshll.u32 v17, $0x6;
	v8 =	vadd.s32 v8, v16  }
0x94: {  	v16 =	vld [tilespmem:s15+$0x12980];
	v17 =	vadd.s32 v18, v17  }
0x95: {  	v18 =	vld [tilespmem:s1+$0xFFFFFFD0];
	v19 =	vshll.u32 v19, $0x6  }
0x96: {  	v20 =	vld [tilespmem:s1+$0xFFFFFFC0];
	v9 =	vshll.u32 v9, $0x6;
	v10 =	vadd.s32 v10, v19  }
0x97: {  	v19 =	vld [tilespmem:s1+$0xFFFFFFB0];
	v14 =	vshll.u32 v14, $0x6;
	v9 =	vadd.s32 v11, v9  }
0x98: {  	v11 =	vld [tilespmem:s1+$0xFFFFFFA0];
	v12 =	vadd.s32 v12, v14  }
0x99: {  	v14 =	vld [tilespmem:s1+$0xFFFFFF90]  }
0x9a: {  	v21 =	vld [tilespmem:s1+$0xFFFFFF80]  }
0x9b: {  	v22 =	vld [tilespmem:s1+$0xFFFFFF70]  }
0x9c: {  	v23 =	vld [tilespmem:s1+$0xFFFFFF60]  }
0x9d: {  	v24 =	vld [tilespmem:s23+$0xFFFFFF60]  }
0x9e: {  	v25 =	vld [tilespmem:s23+$0xFFFFFF70]  }
0x9f: {  	v26 =	vld [tilespmem:s23+$0xFFFFFF80]  }
0xa0: {  	v27 =	vld [tilespmem:s23+$0xFFFFFF90]  }
0xa1: {  	v28 =	vld [tilespmem:s23+$0xFFFFFFA0]  }
0xa2: {  	v29 =	vld [tilespmem:s23+$0xFFFFFFB0];
	v24 =	vshll.u32 v24, $0x6  }
0xa3: {  	v30 =	vld [tilespmem:s23+$0xFFFFFFC0];
	v23 =	vadd.s32 v23, v24;
	v24 =	vshll.u32 v25, $0x6  }
0xa4: {  	v25 =	vld [tilespmem:s23+$0xFFFFFFD0];
	v23 =	vadd.s32 v1, v23;
	v22 =	vadd.s32 v22, v24;
	v24 =	vshll.u32 v26, $0x6  }
0xa5: {  	v26 =	vld [tilespmem:s15+$0x10080];
	v22 =	vadd.s32 v1, v22;
	v21 =	vadd.s32 v21, v24;
	v24 =	vshll.u32 v27, $0x6  }
0xa6: {  	v27 =	vld [tilespmem:s23+$0xFFFFFFF0];
	v21 =	vadd.s32 v1, v21;
	v14 =	vadd.s32 v14, v24;
	v24 =	vshll.u32 v28, $0x6  }
0xa7: {  	v28 =	vld [tilespmem:s23+$0x0];
	v14 =	vadd.s32 v1, v14;
	v11 =	vadd.s32 v11, v24;
	v24 =	vshll.u32 v29, $0x6  }
0xa8: {  	v29 =	vld [tilespmem:s23+$0x10];
	v11 =	vadd.s32 v1, v11;
	v19 =	vadd.s32 v19, v24;
	v24 =	vshll.u32 v30, $0x6  }
0xa9: {  	[tilespmem:v23+s4+$0x0] =	vst.idx.add.f32.msk $0xffff, v2;
	v19 =	vadd.s32 v1, v19;
	v20 =	vadd.s32 v20, v24;
	v23 =	vshll.u32 v25, $0x6  }
0xaa: {  	[tilespmem:v22+s4+$0x0] =	vst.idx.add.f32.msk $0xffff, v2;
	v20 =	vadd.s32 v1, v20;
	v18 =	vadd.s32 v18, v23;
	v22 =	vshll.u32 v26, $0x6  }
0xab: {  	[tilespmem:v21+s4+$0x0] =	vst.idx.add.f32.msk $0xffff, v2;
	v18 =	vadd.s32 v1, v18;
	v16 =	vadd.s32 v16, v22;
	v21 =	vshll.u32 v27, $0x6  }
0xac: {  	[tilespmem:v14+s4+$0x0] =	vst.idx.add.f32.msk $0xffff, v2;
	v14 =	vadd.s32 v1, v16;
	v15 =	vadd.s32 v15, v21;
	v16 =	vshll.u32 v28, $0x6  }
0xad: {  	[tilespmem:v11+s4+$0x0] =	vst.idx.add.f32.msk $0xffff, v2;
	v11 =	vadd.s32 v1, v15;
	v13 =	vadd.s32 v13, v16;
	v15 =	vshll.u32 v29, $0x6  }
0xae: {  	[tilespmem:v19+s4+$0x0] =	vst.idx.add.f32.msk $0xffff, v2;
	v13 =	vadd.s32 v1, v13;
	v6 =	vadd.s32 v6, v15  }
0xaf: {  	[tilespmem:v20+s4+$0x0] =	vst.idx.add.f32.msk $0xffff, v2;
	v6 =	vadd.s32 v1, v6  }
0xb0: {  	v12 =	vadd.s32 v1, v12;
	[tilespmem:v18+s4+$0x0] =	vst.idx.add.f32.msk $0xffff, v2  }
0xb1: {  	v9 =	vadd.s32 v1, v9;
	[tilespmem:v14+s4+$0x0] =	vst.idx.add.f32.msk $0xffff, v2  }
0xb2: {  	v10 =	vadd.s32 v1, v10;
	[tilespmem:v11+s4+$0x0] =	vst.idx.add.f32.msk $0xffff, v2  }
0xb3: {  	v3 =	vadd.s32 v1, v3;
	[tilespmem:v13+s4+$0x0] =	vst.idx.add.f32.msk $0xffff, v2  }
0xb4: {  	[tilespmem:v6+s4+$0x0] =	vst.idx.add.f32.msk $0xffff, v2;
	v6 =	vadd.s32 v1, v17  }
0xb5: {  	v8 =	vadd.s32 v1, v8;
	[tilespmem:v12+s4+$0x0] =	vst.idx.add.f32.msk $0xffff, v2  }
0xb6: {  	v7 =	vadd.s32 v1, v7;
	[tilespmem:v9+s4+$0x0] =	vst.idx.add.f32.msk $0xffff, v2  }
0xb7: {  	v5 =	vadd.s32 v1, v5;
	[tilespmem:v10+s4+$0x0] =	vst.idx.add.f32.msk $0xffff, v2  }
.Ltmp1:
0xb8: {  	[tilespmem:v3+s4+$0x0] =	vst.idx.add.f32.msk $0xffff, v2;
	v3 =	vadd.s32 v1, v4;
	(pc) =	sbr.rel @p1 .LBB2_5-.Ltmp1, $4  }
0xb9: {  	[tilespmem:v6+s4+$0x0] =	vst.idx.add.f32.msk $0xffff, v2  }
0xba: {  	[tilespmem:v8+s4+$0x0] =	vst.idx.add.f32.msk $0xffff, v2  }
0xbb: {  	[tilespmem:v7+s4+$0x0] =	vst.idx.add.f32.msk $0xffff, v2  }
0xbc: {  	[tilespmem:v5+s4+$0x0] =	vst.idx.add.f32.msk $0xffff, v2  }
0xbd: {  	p1 =	seq.s32 s0, $0x5  }
0xbe: {  	s1 =	smul.u32 @!p1 $0x5160, s0;
	_ =	sdelay $0x1  }
0xbf: {  	s1 =	sadd.s32 @!p1 s1, s9  }
0xc0: {  	s1 =	sshrl.u32 @!p1 s1, $0x3  }
0xc1: {  	[tilespmem:v3+s4+$0x0] =	vst.idx.add.f32.msk $0xffff, v2;
	s23 =	simm.s32 @!p1 $0x0;
	s25 =	simm.s32 @!p1 $0x10000;
	s15 =	sadd.s32 @!p1 s2, s1  }
0xc2: {  	[tilespmem:s25], [sflag:$0x1] =	stream.linear.gather @!p1 [hbm4b:s15+s23], $0x28B0, $0x38;
	[tilespmem:$0x1B600] =	vst v63  }
0xc3: {  	s1 =	sadd.s32 @!p1 s3, s1;
	s15 =	simm.s32 @!p1 $0x12900  }
0xc4: {  	[tilespmem:s15], [sflag:$0x2] =	stream.linear.gather @!p1 [hbm4b:s1+s23], $0x28B0, $0x38;
	[tilespmem:$0x1B600] =	vst v63  }
0xc5: {  	_ =	swait.ge [sflag:s21], $0x28B0  }
0xc6: {  	[sflag:s21] =	ssyncset.done $0x0  }
0xc7: {  	[sflag:s21] =	ssyncadd.s32 $0xFFFFD750  }
0xc8: {  	_ =	swait.ge [sflag:s22], $0x28B0  }
0xc9: {  	[sflag:s22] =	ssyncset.done $0x0  }
0xca: {  	s1 =	simm.s32 $0x17BA0;
	[sflag:s22] =	ssyncadd.s32 $0xFFFFD750  }
0xcb: {  	v3 =	vld [tilespmem:s1+$0xA0]  }
0xcc: {  	v4 =	vld [tilespmem:s1+$0x90]  }
0xcd: {  	v5 =	vld [tilespmem:s1+$0x80]  }
0xce: {  	s23 =	simm.s32 $0x152A0;
	v6 =	vld [tilespmem:s1+$0x70]  }
0xcf: {  	v7 =	vld [tilespmem:s23+$0x50]  }
0xd0: {  	v8 =	vld [tilespmem:s1+$0x50]  }
0xd1: {  	v9 =	vld [tilespmem:s1+$0x40]  }
0xd2: {  	v10 =	vld [tilespmem:s1+$0x30]  }
0xd3: {  	v11 =	vld [tilespmem:s1+$0x20]  }
0xd4: {  	v12 =	vld [tilespmem:s1+$0x10]  }
0xd5: {  	v13 =	vld [tilespmem:s1+$0x0]  }
0xd6: {  	v14 =	vld [tilespmem:s23+$0xA0]  }
0xd7: {  	v15 =	vld [tilespmem:s23+$0x90]  }
0xd8: {  	s25 =	simm.s32 $0x0;
	v16 =	vld [tilespmem:s23+$0x80]  }
0xd9: {  	s15 =	sand.u32 $0x3FF0, s25;
	v17 =	vld [tilespmem:s23+$0x70]  }
0xda: {  	v18 =	vld [tilespmem:s15+$0x15300]  }
0xdb: {  	v19 =	vld [tilespmem:s15+$0x17C00]  }
0xdc: {  	v20 =	vld [tilespmem:s23+$0x40]  }
0xdd: {  	v21 =	vld [tilespmem:s23+$0x30]  }
0xde: {  	v22 =	vld [tilespmem:s23+$0x20]  }
0xdf: {  	v23 =	vld [tilespmem:s1+$0xFFFFFFF0]  }
0xe0: {  	v24 =	vld [tilespmem:s15+$0x17B80]  }
0xe1: {  	v25 =	vld [tilespmem:s1+$0xFFFFFFD0]  }
0xe2: {  	v26 =	vld [tilespmem:s1+$0xFFFFFFC0]  }
0xe3: {  	v27 =	vld [tilespmem:s1+$0xFFFFFFB0]  }
0xe4: {  	v28 =	vld [tilespmem:s1+$0xFFFFFFA0]  }
0xe5: {  	v29 =	vld [tilespmem:s1+$0xFFFFFF90]  }
0xe6: {  	v30 =	vld [tilespmem:s1+$0xFFFFFF80]  }
0xe7: {  	v31 =	vld [tilespmem:s1+$0xFFFFFF70]  }
0xe8: {  	v32 =	vld [tilespmem:s1+$0xFFFFFF60]  }
0xe9: {  	v33 =	vld [tilespmem:s23+$0xFFFFFF60]  }
0xea: {  	v34 =	vld [tilespmem:s23+$0xFFFFFF70]  }
0xeb: {  	v35 =	vld [tilespmem:s23+$0xFFFFFF80]  }
0xec: {  	v36 =	vld [tilespmem:s23+$0xFFFFFF90]  }
0xed: {  	v37 =	vld [tilespmem:s23+$0xFFFFFFA0]  }
0xee: {  	v38 =	vld [tilespmem:s23+$0xFFFFFFB0];
	v33 =	vshll.u32 v33, $0x6  }
0xef: {  	v49 =	vld [tilespmem:s23+$0xFFFFFFC0];
	v34 =	vshll.u32 v34, $0x6;
	v32 =	vadd.s32 v32, v33  }
0xf0: {  	v50 =	vld [tilespmem:s23+$0xFFFFFFD0];
	v35 =	vshll.u32 v35, $0x6;
	v31 =	vadd.s32 v31, v34;
	v32 =	vadd.s32 v1, v32  }
0xf1: {  	v51 =	vld [tilespmem:s15+$0x15280];
	v36 =	vshll.u32 v36, $0x6;
	v30 =	vadd.s32 v30, v35;
	v31 =	vadd.s32 v1, v31  }
0xf2: {  	v52 =	vld [tilespmem:s23+$0xFFFFFFF0];
	v37 =	vshll.u32 v37, $0x6;
	v29 =	vadd.s32 v29, v36;
	v30 =	vadd.s32 v1, v30  }
0xf3: {  	v53 =	vld [tilespmem:s23+$0x0];
	v38 =	vshll.u32 v38, $0x6;
	v28 =	vadd.s32 v28, v37;
	v29 =	vadd.s32 v1, v29  }
0xf4: {  	v54 =	vld [tilespmem:s23+$0x10];
	v27 =	vadd.s32 v27, v38;
	v33 =	vshll.u32 v49, $0x6;
	v28 =	vadd.s32 v1, v28  }
0xf5: {  	v55 =	vshll.u32 v50, $0x6;
	v26 =	vadd.s32 v26, v33;
	v27 =	vadd.s32 v1, v27;
	[tilespmem:v32+s4+$0x0] =	vst.idx.add.f32.msk $0xffff, v2  }
0xf6: {  	v56 =	vshll.u32 v51, $0x6;
	v25 =	vadd.s32 v25, v55;
	v26 =	vadd.s32 v1, v26;
	[tilespmem:v31+s4+$0x0] =	vst.idx.add.f32.msk $0xffff, v2  }
0xf7: {  	v57 =	vshll.u32 v52, $0x6;
	v24 =	vadd.s32 v24, v56;
	v25 =	vadd.s32 v1, v25;
	[tilespmem:v30+s4+$0x0] =	vst.idx.add.f32.msk $0xffff, v2  }
0xf8: {  	v58 =	vshll.u32 v53, $0x6;
	v23 =	vadd.s32 v23, v57;
	v24 =	vadd.s32 v1, v24;
	[tilespmem:v29+s4+$0x0] =	vst.idx.add.f32.msk $0xffff, v2  }
0xf9: {  	v59 =	vshll.u32 v54, $0x6;
	v13 =	vadd.s32 v13, v58;
	v23 =	vadd.s32 v1, v23;
	[tilespmem:v28+s4+$0x0] =	vst.idx.add.f32.msk $0xffff, v2  }
0xfa: {  	v22 =	vshll.u32 v22, $0x6;
	v12 =	vadd.s32 v12, v59;
	v13 =	vadd.s32 v1, v13;
	[tilespmem:v27+s4+$0x0] =	vst.idx.add.f32.msk $0xffff, v2  }
0xfb: {  	v21 =	vshll.u32 v21, $0x6;
	v11 =	vadd.s32 v11, v22;
	v12 =	vadd.s32 v1, v12;
	[tilespmem:v26+s4+$0x0] =	vst.idx.add.f32.msk $0xffff, v2  }
0xfc: {  	v20 =	vshll.u32 v20, $0x6;
	v10 =	vadd.s32 v10, v21;
	v11 =	vadd.s32 v1, v11;
	[tilespmem:v25+s4+$0x0] =	vst.idx.add.f32.msk $0xffff, v2  }
0xfd: {  	v7 =	vshll.u32 v7, $0x6;
	v9 =	vadd.s32 v9, v20;
	v10 =	vadd.s32 v1, v10;
	[tilespmem:v24+s4+$0x0] =	vst.idx.add.f32.msk $0xffff, v2  }
0xfe: {  	v60 =	vshll.u32 v18, $0x6;
	v7 =	vadd.s32 v8, v7;
	v9 =	vadd.s32 v1, v9;
	[tilespmem:v23+s4+$0x0] =	vst.idx.add.f32.msk $0xffff, v2  }
0xff: {  	v17 =	vshll.u32 v17, $0x6;
	v8 =	vadd.s32 v19, v60;
	v7 =	vadd.s32 v1, v7;
	[tilespmem:v13+s4+$0x0] =	vst.idx.add.f32.msk $0xffff, v2  }
0x100: {  	v61 =	vshll.u32 v16, $0x6;
	v6 =	vadd.s32 v6, v17;
	v8 =	vadd.s32 v1, v8;
	[tilespmem:v12+s4+$0x0] =	vst.idx.add.f32.msk $0xffff, v2  }
0x101: {  	v62 =	vshll.u32 v15, $0x6;
	v5 =	vadd.s32 v5, v61;
	v6 =	vadd.s32 v1, v6;
	[tilespmem:v11+s4+$0x0] =	vst.idx.add.f32.msk $0xffff, v2  }
0x102: {  	v63 =	vshll.u32 v14, $0x6;
	v4 =	vadd.s32 v4, v62;
	v5 =	vadd.s32 v1, v5;
	[tilespmem:v10+s4+$0x0] =	vst.idx.add.f32.msk $0xffff, v2  }
0x103: {  	v3 =	vadd.s32 v3, v63;
	v4 =	vadd.s32 v1, v4;
	[tilespmem:v9+s4+$0x0] =	vst.idx.add.f32.msk $0xffff, v2  }
0x104: {  	v3 =	vadd.s32 v1, v3;
	[tilespmem:v7+s4+$0x0] =	vst.idx.add.f32.msk $0xffff, v2  }
0x105: {  	[tilespmem:v8+s4+$0x0] =	vst.idx.add.f32.msk $0xffff, v2  }
0x106: {  	[tilespmem:v6+s4+$0x0] =	vst.idx.add.f32.msk $0xffff, v2  }
0x107: {  	[tilespmem:v5+s4+$0x0] =	vst.idx.add.f32.msk $0xffff, v2  }
0x108: {  	s25 =	simm.s32 $0x150;
	[tilespmem:v4+s4+$0x0] =	vst.idx.add.f32.msk $0xffff, v2  }
.LBB2_7:
0x109: {  	p2 =	sne.s32 s25, $0x2760;
	[tilespmem:v3+s4+$0x0] =	vst.idx.add.f32.msk $0xffff, v2;
	s23 =	sadd.s32 $0x150, s23;
	s1 =	sadd.s32 $0x150, s1  }
0x10a: {  	s15 =	smov.u32 s25;
	s25 =	sadd.s32 $0x150, s25;
	v4 =	vld [tilespmem:s1+$0xA0]  }
0x10b: {  	v5 =	vld [tilespmem:s1+$0x90]  }
0x10c: {  	v7 =	vld [tilespmem:s1+$0x80]  }
0x10d: {  	v8 =	vld [tilespmem:s1+$0x70]  }
0x10e: {  	v3 =	vld [tilespmem:s23+$0x50]  }
0x10f: {  	v9 =	vld [tilespmem:s1+$0x50]  }
0x110: {  	v10 =	vld [tilespmem:s1+$0x40]  }
0x111: {  	v11 =	vld [tilespmem:s1+$0x30]  }
0x112: {  	v12 =	vld [tilespmem:s1+$0x20]  }
0x113: {  	v6 =	vld [tilespmem:s1+$0x10];
	v3 =	vshll.u32 v3, $0x6  }
0x114: {  	v13 =	vld [tilespmem:s1+$0x0];
	v3 =	vadd.s32 v9, v3  }
0x115: {  	v9 =	vld [tilespmem:s23+$0xA0]  }
0x116: {  	v14 =	vld [tilespmem:s23+$0x90]  }
0x117: {  	v15 =	vld [tilespmem:s23+$0x80]  }
0x118: {  	s15 =	sand.u32 $0x3FF0, s15;
	v16 =	vld [tilespmem:s23+$0x70]  }
0x119: {  	v17 =	vld [tilespmem:s15+$0x15300]  }
0x11a: {  	v18 =	vld [tilespmem:s15+$0x17C00];
	v9 =	vshll.u32 v9, $0x6  }
0x11b: {  	v19 =	vld [tilespmem:s23+$0x40];
	v14 =	vshll.u32 v14, $0x6;
	v4 =	vadd.s32 v4, v9  }
0x11c: {  	v9 =	vld [tilespmem:s23+$0x30];
	v15 =	vshll.u32 v15, $0x6;
	v5 =	vadd.s32 v5, v14  }
0x11d: {  	v14 =	vld [tilespmem:s23+$0x20];
	v16 =	vshll.u32 v16, $0x6;
	v7 =	vadd.s32 v7, v15  }
0x11e: {  	v15 =	vld [tilespmem:s1+$0xFFFFFFF0];
	v17 =	vshll.u32 v17, $0x6;
	v8 =	vadd.s32 v8, v16  }
0x11f: {  	v16 =	vld [tilespmem:s15+$0x17B80];
	v17 =	vadd.s32 v18, v17  }
0x120: {  	v18 =	vld [tilespmem:s1+$0xFFFFFFD0];
	v19 =	vshll.u32 v19, $0x6  }
0x121: {  	v20 =	vld [tilespmem:s1+$0xFFFFFFC0];
	v9 =	vshll.u32 v9, $0x6;
	v10 =	vadd.s32 v10, v19  }
0x122: {  	v19 =	vld [tilespmem:s1+$0xFFFFFFB0];
	v14 =	vshll.u32 v14, $0x6;
	v9 =	vadd.s32 v11, v9  }
0x123: {  	v11 =	vld [tilespmem:s1+$0xFFFFFFA0];
	v12 =	vadd.s32 v12, v14  }
0x124: {  	v14 =	vld [tilespmem:s1+$0xFFFFFF90]  }
0x125: {  	v21 =	vld [tilespmem:s1+$0xFFFFFF80]  }
0x126: {  	v22 =	vld [tilespmem:s1+$0xFFFFFF70]  }
0x127: {  	v23 =	vld [tilespmem:s1+$0xFFFFFF60]  }
0x128: {  	v24 =	vld [tilespmem:s23+$0xFFFFFF60]  }
0x129: {  	v25 =	vld [tilespmem:s23+$0xFFFFFF70]  }
0x12a: {  	v26 =	vld [tilespmem:s23+$0xFFFFFF80]  }
0x12b: {  	v27 =	vld [tilespmem:s23+$0xFFFFFF90]  }
0x12c: {  	v28 =	vld [tilespmem:s23+$0xFFFFFFA0]  }
0x12d: {  	v29 =	vld [tilespmem:s23+$0xFFFFFFB0];
	v24 =	vshll.u32 v24, $0x6  }
0x12e: {  	v30 =	vld [tilespmem:s23+$0xFFFFFFC0];
	v23 =	vadd.s32 v23, v24;
	v24 =	vshll.u32 v25, $0x6  }
0x12f: {  	v25 =	vld [tilespmem:s23+$0xFFFFFFD0];
	v23 =	vadd.s32 v1, v23;
	v22 =	vadd.s32 v22, v24;
	v24 =	vshll.u32 v26, $0x6  }
0x130: {  	v26 =	vld [tilespmem:s15+$0x15280];
	v22 =	vadd.s32 v1, v22;
	v21 =	vadd.s32 v21, v24;
	v24 =	vshll.u32 v27, $0x6  }
0x131: {  	v27 =	vld [tilespmem:s23+$0xFFFFFFF0];
	v21 =	vadd.s32 v1, v21;
	v14 =	vadd.s32 v14, v24;
	v24 =	vshll.u32 v28, $0x6  }
0x132: {  	v28 =	vld [tilespmem:s23+$0x0];
	v14 =	vadd.s32 v1, v14;
	v11 =	vadd.s32 v11, v24;
	v24 =	vshll.u32 v29, $0x6  }
0x133: {  	v29 =	vld [tilespmem:s23+$0x10];
	v11 =	vadd.s32 v1, v11;
	v19 =	vadd.s32 v19, v24;
	v24 =	vshll.u32 v30, $0x6  }
0x134: {  	[tilespmem:v23+s4+$0x0] =	vst.idx.add.f32.msk $0xffff, v2;
	v19 =	vadd.s32 v1, v19;
	v20 =	vadd.s32 v20, v24;
	v23 =	vshll.u32 v25, $0x6  }
0x135: {  	[tilespmem:v22+s4+$0x0] =	vst.idx.add.f32.msk $0xffff, v2;
	v20 =	vadd.s32 v1, v20;
	v18 =	vadd.s32 v18, v23;
	v22 =	vshll.u32 v26, $0x6  }
0x136: {  	[tilespmem:v21+s4+$0x0] =	vst.idx.add.f32.msk $0xffff, v2;
	v18 =	vadd.s32 v1, v18;
	v16 =	vadd.s32 v16, v22;
	v21 =	vshll.u32 v27, $0x6  }
0x137: {  	[tilespmem:v14+s4+$0x0] =	vst.idx.add.f32.msk $0xffff, v2;
	v14 =	vadd.s32 v1, v16;
	v15 =	vadd.s32 v15, v21;
	v16 =	vshll.u32 v28, $0x6  }
0x138: {  	[tilespmem:v11+s4+$0x0] =	vst.idx.add.f32.msk $0xffff, v2;
	v11 =	vadd.s32 v1, v15;
	v13 =	vadd.s32 v13, v16;
	v15 =	vshll.u32 v29, $0x6  }
0x139: {  	[tilespmem:v19+s4+$0x0] =	vst.idx.add.f32.msk $0xffff, v2;
	v13 =	vadd.s32 v1, v13;
	v6 =	vadd.s32 v6, v15  }
0x13a: {  	[tilespmem:v20+s4+$0x0] =	vst.idx.add.f32.msk $0xffff, v2;
	v6 =	vadd.s32 v1, v6  }
0x13b: {  	v12 =	vadd.s32 v1, v12;
	[tilespmem:v18+s4+$0x0] =	vst.idx.add.f32.msk $0xffff, v2  }
0x13c: {  	v9 =	vadd.s32 v1, v9;
	[tilespmem:v14+s4+$0x0] =	vst.idx.add.f32.msk $0xffff, v2  }
0x13d: {  	v10 =	vadd.s32 v1, v10;
	[tilespmem:v11+s4+$0x0] =	vst.idx.add.f32.msk $0xffff, v2  }
0x13e: {  	v3 =	vadd.s32 v1, v3;
	[tilespmem:v13+s4+$0x0] =	vst.idx.add.f32.msk $0xffff, v2  }
0x13f: {  	[tilespmem:v6+s4+$0x0] =	vst.idx.add.f32.msk $0xffff, v2;
	v6 =	vadd.s32 v1, v17  }
0x140: {  	v8 =	vadd.s32 v1, v8;
	[tilespmem:v12+s4+$0x0] =	vst.idx.add.f32.msk $0xffff, v2  }
0x141: {  	v7 =	vadd.s32 v1, v7;
	[tilespmem:v9+s4+$0x0] =	vst.idx.add.f32.msk $0xffff, v2  }
0x142: {  	v5 =	vadd.s32 v1, v5;
	[tilespmem:v10+s4+$0x0] =	vst.idx.add.f32.msk $0xffff, v2  }
.Ltmp2:
0x143: {  	[tilespmem:v3+s4+$0x0] =	vst.idx.add.f32.msk $0xffff, v2;
	v3 =	vadd.s32 v1, v4;
	(pc) =	sbr.rel @p2 .LBB2_7-.Ltmp2, $4  }
0x144: {  	[tilespmem:v6+s4+$0x0] =	vst.idx.add.f32.msk $0xffff, v2  }
0x145: {  	[tilespmem:v8+s4+$0x0] =	vst.idx.add.f32.msk $0xffff, v2  }
0x146: {  	[tilespmem:v7+s4+$0x0] =	vst.idx.add.f32.msk $0xffff, v2  }
0x147: {  	[tilespmem:v5+s4+$0x0] =	vst.idx.add.f32.msk $0xffff, v2  }
.Ltmp3:
0x148: {  	_ = 	snop;
	(pc) =	sbr.rel @p1 .LBB2_10-.Ltmp3, $2  }
0x149: {  	_ =	sdelay $0x2  }
0x14a: {  	[tilespmem:v3+s4+$0x0] =	vst.idx.add.f32.msk $0xffff, v2  }
0x14b: {  	s1 =	smul.u32 $0x5160, s0;
	_ =	sdelay $0x1  }
0x14c: {  	s1 =	sadd.s32 s1, s10  }
.Ltmp4:
0x14d: {  	s1 =	sshrl.u32 s1, $0x3;
	(pc) =	sbr.rel .LBB2_4-.Ltmp4, $4  }
0x14e: {  	s15 =	sadd.s32 s2, s1  }
0x14f: {  	[tilespmem:s17], [sflag:$0x3] =	stream.linear.gather [hbm4b:s15+s4], $0x28B0, $0x38;
	[tilespmem:$0x1B600] =	vst v63  }
0x150: {  	s0 =	sadd.s32 $0x1, s0;
	s1 =	sadd.s32 s3, s1  }
0x151: {  	[tilespmem:s18], [sflag:$0x4] =	stream.linear.gather [hbm4b:s1+s4], $0x28B0, $0x38;
	[tilespmem:$0x1B600] =	vst v63  }
.LBB2_10:
.Ltmp5:
0x152: {  	(pc) =	sbr.rel @p0 .LBB2_12-.Ltmp5, $1  }
0x153: {  	_ =	sdelay $0x3  }
0x154: {  	s0 =	simm.s32 $0x1A400  }
0x155: {  	[tilespmem:s0], [sflag:$0x5] =	stream.linear.gather [hbm4b:s11+s4], $0x100, $0x38;
	[tilespmem:$0x1B600] =	vst v63  }
0x156: {  	_ =	swait.ge [sflag:s24], $0x100  }
0x157: {  	[sflag:s24] =	ssyncset.done $0x0  }
0x158: {  	s31 =	simm.s32 $0x1A500;
	[sflag:s24] =	ssyncadd.s32 $0xFFFFFF00  }
0x159: {  	[tilespmem:s31], [sflag:$0x5] =	stream.linear.gather [hbm4b:s12+s4], $0x100, $0x38;
	[tilespmem:$0x1B600] =	vst v63  }
0x15a: {  	_ =	swait.ge [sflag:s24], $0x100  }
0x15b: {  	[sflag:s24] =	ssyncset.done $0x0  }
0x15c: {  	[sflag:s24] =	ssyncadd.s32 $0xFFFFFF00  }
0x15d: {  	v3 =	vld [tilespmem:$0x1A400]  }
0x15e: {  	v4 =	vld [tilespmem:$0x1A410]  }
0x15f: {  	v5 =	vld [tilespmem:$0x1A420]  }
0x160: {  	v6 =	vld [tilespmem:$0x1A430]  }
0x161: {  	v7 =	vld [tilespmem:$0x1A440]  }
0x162: {  	v8 =	vld [tilespmem:$0x1A450]  }
0x163: {  	v9 =	vld [tilespmem:$0x1A460]  }
0x164: {  	v10 =	vld [tilespmem:$0x1A470]  }
0x165: {  	v11 =	vld [tilespmem:$0x1A480]  }
0x166: {  	v12 =	vld [tilespmem:$0x1A490]  }
0x167: {  	v13 =	vld [tilespmem:$0x1A4A0]  }
0x168: {  	v14 =	vld [tilespmem:$0x1A4B0]  }
0x169: {  	v15 =	vld [tilespmem:$0x1A4C0]  }
0x16a: {  	v16 =	vld [tilespmem:$0x1A4D0]  }
0x16b: {  	v17 =	vld [tilespmem:$0x1A4E0]  }
0x16c: {  	v18 =	vld [tilespmem:$0x1A4F0]  }
0x16d: {  	v19 =	vld [tilespmem:$0x1A500]  }
0x16e: {  	v20 =	vld [tilespmem:$0x1A510]  }
0x16f: {  	v21 =	vld [tilespmem:$0x1A520]  }
0x170: {  	v22 =	vld [tilespmem:$0x1A530]  }
0x171: {  	v23 =	vld [tilespmem:$0x1A540]  }
0x172: {  	v24 =	vld [tilespmem:$0x1A550]  }
0x173: {  	v25 =	vld [tilespmem:$0x1A560]  }
0x174: {  	v26 =	vld [tilespmem:$0x1A570]  }
0x175: {  	v27 =	vld [tilespmem:$0x1A580]  }
0x176: {  	v28 =	vld [tilespmem:$0x1A590];
	v3 =	vshll.u32 v3, $0x6  }
0x177: {  	v29 =	vld [tilespmem:$0x1A5A0];
	v4 =	vshll.u32 v4, $0x6;
	v3 =	vadd.s32 v19, v3  }
0x178: {  	v32 =	vld [tilespmem:$0x1A5B0];
	v5 =	vshll.u32 v5, $0x6;
	v4 =	vadd.s32 v20, v4;
	v3 =	vadd.s32 v1, v3  }
0x179: {  	v33 =	vld [tilespmem:$0x1A5C0];
	v6 =	vshll.u32 v6, $0x6;
	v5 =	vadd.s32 v21, v5;
	v4 =	vadd.s32 v1, v4  }
0x17a: {  	v34 =	vld [tilespmem:$0x1A5D0];
	v7 =	vshll.u32 v7, $0x6;
	v6 =	vadd.s32 v22, v6;
	v5 =	vadd.s32 v1, v5  }
0x17b: {  	v35 =	vld [tilespmem:$0x1A5E0];
	v8 =	vshll.u32 v8, $0x6;
	v7 =	vadd.s32 v23, v7;
	v6 =	vadd.s32 v1, v6  }
0x17c: {  	v36 =	vld [tilespmem:$0x1A5F0];
	v9 =	vshll.u32 v9, $0x6;
	v8 =	vadd.s32 v24, v8;
	v7 =	vadd.s32 v1, v7  }
0x17d: {  	v38 =	vshll.u32 v10, $0x6;
	v37 =	vadd.s32 v25, v9;
	[tilespmem:v3+s4+$0x0] =	vst.idx.add.f32.msk $0xffff, v2;
	v3 =	vadd.s32 v1, v8  }
0x17e: {  	v41 =	vshll.u32 v11, $0x6;
	v40 =	vadd.s32 v26, v38;
	v39 =	vadd.s32 v1, v37;
	[tilespmem:v4+s4+$0x0] =	vst.idx.add.f32.msk $0xffff, v2  }
0x17f: {  	v44 =	vshll.u32 v12, $0x6;
	v43 =	vadd.s32 v27, v41;
	v42 =	vadd.s32 v1, v40;
	[tilespmem:v5+s4+$0x0] =	vst.idx.add.f32.msk $0xffff, v2  }
0x180: {  	v47 =	vshll.u32 v13, $0x6;
	v46 =	vadd.s32 v28, v44;
	v45 =	vadd.s32 v1, v43;
	[tilespmem:v6+s4+$0x0] =	vst.idx.add.f32.msk $0xffff, v2  }
0x181: {  	v50 =	vshll.u32 v14, $0x6;
	v49 =	vadd.s32 v29, v47;
	v48 =	vadd.s32 v1, v46;
	[tilespmem:v7+s4+$0x0] =	vst.idx.add.f32.msk $0xffff, v2  }
0x182: {  	v52 =	vshll.u32 v15, $0x6;
	v51 =	vadd.s32 v32, v50;
	[tilespmem:v3+s4+$0x0] =	vst.idx.add.f32.msk $0xffff, v2;
	v3 =	vadd.s32 v1, v49  }
0x183: {  	v55 =	vshll.u32 v16, $0x6;
	v54 =	vadd.s32 v33, v52;
	v53 =	vadd.s32 v1, v51;
	[tilespmem:v39+s4+$0x0] =	vst.idx.add.f32.msk $0xffff, v2  }
0x184: {  	v58 =	vshll.u32 v17, $0x6;
	v57 =	vadd.s32 v34, v55;
	v56 =	vadd.s32 v1, v54;
	[tilespmem:v42+s4+$0x0] =	vst.idx.add.f32.msk $0xffff, v2  }
0x185: {  	v61 =	vshll.u32 v18, $0x6;
	v60 =	vadd.s32 v35, v58;
	v59 =	vadd.s32 v1, v57;
	[tilespmem:v45+s4+$0x0] =	vst.idx.add.f32.msk $0xffff, v2  }
0x186: {  	v63 =	vadd.s32 v36, v61;
	v62 =	vadd.s32 v1, v60;
	[tilespmem:v48+s4+$0x0] =	vst.idx.add.f32.msk $0xffff, v2  }
0x187: {  	[tilespmem:v3+s4+$0x0] =	vst.idx.add.f32.msk $0xffff, v2;
	v3 =	vadd.s32 v1, v63  }
0x188: {  	[tilespmem:v53+s4+$0x0] =	vst.idx.add.f32.msk $0xffff, v2  }
0x189: {  	[tilespmem:v56+s4+$0x0] =	vst.idx.add.f32.msk $0xffff, v2  }
0x18a: {  	[tilespmem:v59+s4+$0x0] =	vst.idx.add.f32.msk $0xffff, v2  }
0x18b: {  	[tilespmem:v62+s4+$0x0] =	vst.idx.add.f32.msk $0xffff, v2  }
0x18c: {  	[tilespmem:v3+s4+$0x0] =	vst.idx.add.f32.msk $0xffff, v2  }
.LBB2_12:
0x18d: {  	s0 =	simm.s32 $0x0  }
0x18e: {  	v11 =	vld [tilespmem:s0+$0x10]  }
0x18f: {  	v12 =	vld [tilespmem:s0+$0x1010]  }
0x190: {  	v13 =	vld [tilespmem:s0+$0x2010]  }
0x191: {  	v14 =	vld [tilespmem:s0+$0x3010]  }
0x192: {  	v15 =	vld [tilespmem:s0+$0x4010]  }
0x193: {  	v16 =	vld [tilespmem:s0+$0x5010]  }
0x194: {  	v17 =	vld [tilespmem:s0+$0x6010]  }
0x195: {  	v18 =	vld [tilespmem:s0+$0x7010]  }
0x196: {  	v19 =	vld [tilespmem:s0+$0x8010]  }
0x197: {  	v20 =	vld [tilespmem:s0+$0x9010]  }
0x198: {  	v21 =	vld [tilespmem:s0+$0xA010]  }
0x199: {  	v22 =	vld [tilespmem:s0+$0xB010]  }
0x19a: {  	v23 =	vld [tilespmem:s0+$0xC010]  }
0x19b: {  	v24 =	vld [tilespmem:s0+$0xD010]  }
0x19c: {  	s1 =	simm.s32 $0x0;
	v25 =	vld [tilespmem:s0+$0xE010]  }
0x19d: {  	s31 =	sand.u32 $0xFE0, s1;
	v26 =	vld [tilespmem:s0+$0xF010]  }
0x19e: {  	v3 =	vld [tilespmem:s31+$0x9000]  }
0x19f: {  	v4 =	vld [tilespmem:s31+$0xA000]  }
0x1a0: {  	v5 =	vld [tilespmem:s31+$0xB000]  }
0x1a1: {  	v6 =	vld [tilespmem:s31+$0xC000]  }
0x1a2: {  	v7 =	vld [tilespmem:s31+$0xD000]  }
0x1a3: {  	v8 =	vld [tilespmem:s31+$0xE000]  }
0x1a4: {  	v10 =	vld [tilespmem:s31+$0xF000]  }
0x1a5: {  	v9 =	vld [tilespmem:s31+$0x7000];
	v27 =	vadd.f32 v12, v11;
	v28 =	vadd.f32 v14, v13  }
0x1a6: {  	v11 =	vld [tilespmem:s31+$0x4000];
	v16 =	vadd.f32 v16, v15;
	v17 =	vadd.f32 v18, v17  }
0x1a7: {  	v12 =	vld [tilespmem:s31+$0x5000];
	v18 =	vadd.f32 v20, v19;
	v19 =	vadd.f32 v22, v21  }
0x1a8: {  	v13 =	vld [tilespmem:s31+$0x2000];
	v20 =	vadd.f32 v24, v23;
	v63 =	vadd.f32 v26, v25  }
0x1a9: {  	v14 =	vld [tilespmem:s31+$0x3000];
	v15 =	vadd.f32 v28, v27;
	v16 =	vadd.f32 v17, v16  }
0x1aa: {  	s23 =	simm.s32 $0x0;
	s25 =	simm.s32 $0x80;
	v17 =	vld [tilespmem:s31+$0x1000];
	v18 =	vadd.f32 v19, v18;
	v19 =	vadd.f32 v63, v20  }
.LBB2_13:
0x1ab: {  	s15 =	sshra.s32 s25, $0x2;
	v20 =	vld [tilespmem:s0+$0x0]  }
0x1ac: {  	v15 =	vadd.f32 v16, v15;
	v21 =	vld [tilespmem:s15+$0x10];
	v16 =	vadd.f32 v19, v18  }
0x1ad: {  	v18 =	vld [tilespmem:s15+$0x1010]  }
0x1ae: {  	v19 =	vld [tilespmem:s15+$0x2010];
	v15 =	vadd.f32 v16, v15  }
0x1af: {  	v16 =	vld [tilespmem:s31+$0x6000]  }
0x1b0: {  	v22 =	vld [tilespmem:s31+$0x8000];
	[tilespmem:s0+$0x1A610] =	vst v15  }
0x1b1: {  	v15 =	vld [tilespmem:s15+$0x3010]  }
0x1b2: {  	v13 =	vadd.f32 v14, v13;
	v17 =	vadd.f32 v17, v20;
	v23 =	vld [tilespmem:s15+$0x4010]  }
0x1b3: {  	v8 =	vadd.f32 v10, v8;
	v11 =	vadd.f32 v12, v11;
	v14 =	vld [tilespmem:s15+$0x5010]  }
0x1b4: {  	v6 =	vadd.f32 v7, v6;
	v12 =	vld [tilespmem:s15+$0x6010];
	v9 =	vadd.f32 v9, v16  }
0x1b5: {  	v4 =	vadd.f32 v5, v4;
	v16 =	vld [tilespmem:s15+$0x7010];
	v3 =	vadd.f32 v3, v22  }
0x1b6: {  	v5 =	vadd.f32 v13, v17;
	v20 =	vld [tilespmem:s15+$0x8010];
	v7 =	vadd.f32 v9, v11  }
0x1b7: {  	v13 =	vld [tilespmem:s15+$0x9010];
	v3 =	vadd.f32 v4, v3;
	v4 =	vadd.f32 v8, v6  }
0x1b8: {  	v17 =	vld [tilespmem:s15+$0xA010];
	v5 =	vadd.f32 v7, v5  }
0x1b9: {  	v22 =	vld [tilespmem:s15+$0xB010];
	v3 =	vadd.f32 v4, v3  }
0x1ba: {  	v24 =	vld [tilespmem:s15+$0xC010]  }
0x1bb: {  	v25 =	vld [tilespmem:s15+$0xD010];
	v3 =	vadd.f32 v3, v5  }
0x1bc: {  	s1 =	sadd.s32 $0x20, s1;
	v26 =	vld [tilespmem:s15+$0xE010]  }
0x1bd: {  	s31 =	sand.u32 $0xFE0, s1;
	v27 =	vld [tilespmem:s15+$0xF010];
	[tilespmem:s0+$0x1A600] =	vst v3;
	s0 =	smov.u32 s15  }
0x1be: {  	v3 =	vld [tilespmem:s31+$0x9000]  }
0x1bf: {  	v4 =	vld [tilespmem:s31+$0xA000]  }
0x1c0: {  	v5 =	vld [tilespmem:s31+$0xB000]  }
0x1c1: {  	v6 =	vld [tilespmem:s31+$0xC000]  }
0x1c2: {  	s23 =	sadd.s32 $0x2, s23;
	v7 =	vld [tilespmem:s31+$0xD000]  }
0x1c3: {  	p1 =	slt.u32 s23, $0xFE;
	v8 =	vld [tilespmem:s31+$0xE000]  }
0x1c4: {  	v10 =	vld [tilespmem:s31+$0xF000]  }
0x1c5: {  	v18 =	vadd.f32 v18, v21;
	v15 =	vadd.f32 v15, v19;
	v9 =	vld [tilespmem:s31+$0x7000]  }
.Ltmp6:
0x1c6: {  	v19 =	vadd.f32 v14, v23;
	v16 =	vadd.f32 v16, v12;
	v11 =	vld [tilespmem:s31+$0x4000];
	(pc) =	sbr.rel @p1 .LBB2_13-.Ltmp6, $4  }
0x1c7: {  	v20 =	vadd.f32 v13, v20;
	v21 =	vadd.f32 v22, v17;
	v12 =	vld [tilespmem:s31+$0x5000]  }
0x1c8: {  	v22 =	vadd.f32 v25, v24;
	v23 =	vadd.f32 v27, v26;
	v13 =	vld [tilespmem:s31+$0x2000]  }
0x1c9: {  	v15 =	vadd.f32 v15, v18;
	v16 =	vadd.f32 v16, v19;
	v14 =	vld [tilespmem:s31+$0x3000]  }
0x1ca: {  	s25 =	sadd.s32 $0x80, s25;
	v18 =	vadd.f32 v21, v20;
	v19 =	vadd.f32 v23, v22;
	v17 =	vld [tilespmem:s31+$0x1000]  }
0x1cb: {  	v20 =	vld [tilespmem:s0+$0x0]  }
0x1cc: {  	v21 =	vld [tilespmem:s31+$0x6000]  }
0x1cd: {  	v22 =	vld [tilespmem:s31+$0x8000];
	_ =	sdelay $0x1  }
0x1ce: {  	v8 =	vadd.f32 v10, v8;
	v6 =	vadd.f32 v7, v6  }
0x1cf: {  	v4 =	vadd.f32 v5, v4;
	v11 =	vadd.f32 v12, v11  }
0x1d0: {  	v13 =	vadd.f32 v14, v13;
	v17 =	vadd.f32 v17, v20  }
0x1d1: {  	v9 =	vadd.f32 v9, v21;
	v3 =	vadd.f32 v3, v22  }
0x1d2: {  	v60 =	vadd.f32 v8, v6;
	v58 =	vadd.f32 v13, v17  }
0x1d3: {  	v59 =	vadd.f32 v9, v11;
	v3 =	vadd.f32 v4, v3  }
0x1d4: {  	v61 =	vadd.f32 v16, v15;
	v62 =	vadd.f32 v19, v18  }
0x1d5: {  	v5 =	vadd.f32 v59, v58;
	v3 =	vadd.f32 v60, v3  }
0x1d6: {  	v63 =	vadd.f32 v62, v61  }
0x1d7: {  	s30 =	sadd.s32 $0x1, s30;
	v3 =	vadd.f32 v3, v5  }
0x1d8: {  	p1 =	sne.s32 s30, s14;
	[tilespmem:s0+$0x1A610] =	vst v63  }
.Ltmp7:
0x1d9: {  	[tilespmem:s0+$0x1A600] =	vst v3;
	(pc) =	sbr.rel @p1 .LBB2_1-.Ltmp7, $4  }
0x1da: {  	[hbm4b:s13+s26] =	stream.strided.scatter [tilespmem:s29], [sflag:$0x5], $0x1000, s28, s26, $0x38;
	[tilespmem:$0x1B600] =	vst v63  }
0x1db: {  	_ =	swait.ge [sflag:s24], $0x1000  }
0x1dc: {  	[sflag:s24] =	ssyncset.done $0x0  }
0x1dd: {  	[sflag:s24] =	ssyncadd.s32 $0xFFFFF000  }
0x1de: {  	_ =	sfence.sel $0x180000  }
0x1df: {  	[bflag:$0x0] =	sbarrier.arrive $0xFFFF  }
0x1e0: {  	_ =	strace $0x90000047  }
0x1e1: {  	s0 =	stileid.u32;
	[bflag:$0x2] =	sbarrier.arrive $0xFFFF  }
0x1e2: {  	p0 =	sne.s32 s0, $0x0;
	s0 =	rddreg [dreg:$0x3]  }
0x1e3: {  	s0 =	sadd.s32 @!p0 $0x100000, s0  }
0x1e4: {  	[sflag:s0] =	ssyncadd.tile.s32 @!p0 $0x1;
	_ =	shalt  }
.Lfunc_end2:
_tile_overlayer_lowered:
.L_overlay_start_2:
0x1e5: {  	(tag) =	ssettag $0x2  }
0x1e6: {  	s0 =	rddreg [dreg:$0x0];
	s2 =	stileid.u32  }
0x1e7: {  	s1 =	rddreg [dreg:$0x1];
	p0 =	sne.s32 s2, $0x0  }
0x1e8: {  	s3 =	rddreg [dreg:$0x2];
	[bflag:$0x3] =	sbarrier.arrive $0xFFFF;
	s2 =	simm.s32 @!p0 $0x1C05  }
0x1e9: {  	[timem:s3], [sflag:s2] =	dma.local @!p0 [hbm:s0], s1  }
0x1ea: {  	s0 =	simm.s32 @!p0 $0x5  }
0x1eb: {  	_ =	swait.ge @!p0 [sflag:s0], s1  }
0x1ec: {  	s1 =	ssub.s32 @!p0 $0x0, s1;
	[sflag:s0] =	ssyncset.done @!p0 $0x0  }
0x1ed: {  	[sflag:s0] =	ssyncadd.s32 @!p0 s1  }
0x1ee: {  	[bflag:$0x3] =	sbarrier.arrive $0xFFFF  }
0x1ef: {  	_ =	shalt  }

</sc_bundles>
